<compile_context>
chip_gen: v7x
topology: tpu7x:2x2x1
jax: 0.10.2.dev20260603
libtpu: 0.0.44.dev20260713+nightly
codegen_flags: <defaults>
</compile_context>

<pallas_src>
import functools

import jax
import jax.numpy as jnp
from jax import lax
from jax.experimental import pallas as pl
from jax.experimental.pallas import tpu as pltpu
from jax.experimental.pallas import tpu_sc as plsc

NC = 2
NS = 16
LANES = 16
CW = 16
CHUNK = 64
NBUF = 2


def _sc_aggregate(x_pad, src, dst, n_pad):
    n, dw = x_pad.shape
    d = dw - CW
    n_steps = src.shape[2]
    rows_per_tile = n_pad // NS

    mesh = plsc.VectorSubcoreMesh(
        core_axis_name="c", subcore_axis_name="s", num_cores=NC,
        num_subcores=NS)

    @functools.partial(
        pl.kernel,
        out_type=(
            jax.ShapeDtypeStruct((NC, n_pad, d), jnp.float32),
            jax.ShapeDtypeStruct((NC, n_pad, CW), jnp.float32),
        ),
        mesh=mesh,
        scratch_types=[
            pltpu.VMEM((n_steps, CHUNK), jnp.int32),
            pltpu.VMEM((n_steps, CHUNK), jnp.int32),
            pltpu.VMEM((NBUF, CHUNK, dw), jnp.float32),
            pltpu.VMEM_SHARED((n_pad, dw), jnp.float32),
            pltpu.SemaphoreType.DMA((NBUF,)),
            pltpu.SemaphoreType.DMA((NBUF,)),
        ],
        compiler_params=pltpu.CompilerParams(use_tc_tiling_on_sc=False),
    )
    def k(x_hbm, src_hbm, dst_hbm, agg_hbm, cnt_hbm,
          sidx_v, didx_v, rows_v, acc_sh, sem_g, sem_s):
        c = lax.axis_index("c")
        s = lax.axis_index("s")
        row_base = s * rows_per_tile

        zero16 = jnp.zeros((LANES,), jnp.float32)

        def zrow(i, carry):
            def zcol(j, carry2):
                rows_v[0, i, pl.ds(j * LANES, LANES)] = zero16
                return carry2
            return lax.fori_loop(0, dw // LANES, zcol, carry)
        lax.fori_loop(0, CHUNK, zrow, 0)
        for r in range(rows_per_tile // CHUNK):
            pltpu.sync_copy(rows_v.at[0],
                            acc_sh.at[pl.ds(row_base + r * CHUNK, CHUNK)])
        rem = rows_per_tile % CHUNK
        if rem:
            pltpu.sync_copy(
                rows_v.at[0, pl.ds(0, rem)],
                acc_sh.at[pl.ds(row_base + rows_per_tile - rem, rem)])

        pltpu.sync_copy(src_hbm.at[c, s], sidx_v)
        pltpu.sync_copy(dst_hbm.at[c, s], didx_v)
        plsc.subcore_barrier()

        n_groups = n_steps // NBUF

        def gather_start(j, b):
            pltpu.async_copy(x_hbm.at[sidx_v.at[j]], rows_v.at[b],
                             sem_g.at[b])

        def gather_wait(j, b):
            pltpu.make_async_copy(x_hbm.at[pl.ds(0, CHUNK)], rows_v.at[b],
                                  sem_g.at[b]).wait()

        def scatter(j, b):
            pltpu.sync_copy(rows_v.at[b], acc_sh.at[didx_v.at[j]], add=True)

        for b in range(NBUF):
            gather_start(b, b)

        def group(g, carry):
            base = g * NBUF
            for b in range(NBUF):
                gather_wait(base + b, b)
                scatter(base + b, b)
                gather_start(base + NBUF + b, b)
            return carry
        lax.fori_loop(0, n_groups - 1, group, 0)

        base = (n_groups - 1) * NBUF
        for b in range(NBUF):
            gather_wait(base + b, b)
            scatter(base + b, b)

        plsc.subcore_barrier()
        pltpu.sync_copy(
            acc_sh.at[pl.ds(row_base, rows_per_tile), pl.ds(0, d)],
            agg_hbm.at[c, pl.ds(row_base, rows_per_tile)])
        pltpu.sync_copy(
            acc_sh.at[pl.ds(row_base, rows_per_tile), pl.ds(d, CW)],
            cnt_hbm.at[c, pl.ds(row_base, rows_per_tile)])

    return k(x_pad, src, dst)


def _combine(agg, cnt, W0, W1, b0, b1, n):
    d = agg.shape[2]
    blk = 2000
    grid = n // blk

    def body(agg_ref, cnt_ref, w0_ref, w1_ref, b0_ref, b1_ref, out_ref):
        dn = (((1,), (1,)), ((), ()))
        c0 = jnp.max(cnt_ref[0], axis=1, keepdims=True)
        c1 = jnp.max(cnt_ref[1], axis=1, keepdims=True)
        m0 = agg_ref[0] / jnp.maximum(c0, 1.0)
        m1 = agg_ref[1] / jnp.maximum(c1, 1.0)
        h = lax.dot_general(m0, w0_ref[...], dn,
                            preferred_element_type=jnp.float32)
        h = h + lax.dot_general(m1, w1_ref[...], dn,
                                preferred_element_type=jnp.float32)
        h = h + jnp.where(c0 > 0.0, 1.0, 0.0) * b0_ref[...]
        h = h + jnp.where(c1 > 0.0, 1.0, 0.0) * b1_ref[...]
        out_ref[...] = h

    return pl.pallas_call(
        body,
        grid=(grid,),
        in_specs=[
            pl.BlockSpec((2, blk, d), lambda i: (0, i, 0)),
            pl.BlockSpec((2, blk, CW), lambda i: (0, i, 0)),
            pl.BlockSpec((d, d), lambda i: (0, 0)),
            pl.BlockSpec((d, d), lambda i: (0, 0)),
            pl.BlockSpec((1, d), lambda i: (0, 0)),
            pl.BlockSpec((1, d), lambda i: (0, 0)),
        ],
        out_specs=pl.BlockSpec((blk, d), lambda i: (i, 0)),
        out_shape=jax.ShapeDtypeStruct((n, d), jnp.float32),
    )(agg, cnt, W0, W1, b0.reshape(1, d), b1.reshape(1, d))


def kernel(x, edge_index0, edge_index1, W0, b0, W1, b1):
    n, d = x.shape
    e = edge_index0.shape[1]

    e_pad = -(-e // (NS * CHUNK * NBUF)) * (NS * CHUNK * NBUF)
    n_steps = e_pad // (NS * CHUNK)
    n_pad = -(-(n + 1) // (NS * 8)) * (NS * 8)

    def prep(ei, row):
        idx = ei[row].astype(jnp.int32)
        pad_val = jnp.int32(0) if row == 0 else jnp.int32(n)
        idx = jnp.concatenate(
            [idx, jnp.full((e_pad - e,), pad_val, jnp.int32)])
        return idx.reshape(NS, n_steps, CHUNK)

    src = jnp.stack([prep(edge_index0, 0), prep(edge_index1, 0)])
    dst = jnp.stack([prep(edge_index0, 1), prep(edge_index1, 1)])

    x_pad = jnp.concatenate(
        [x.astype(jnp.float32), jnp.ones((n, CW), jnp.float32)], axis=1)

    with jax.enable_x64(False):
        agg, cnt = _sc_aggregate(x_pad, src, dst, n_pad)
        return _combine(agg, cnt, W0.astype(jnp.float32),
                        W1.astype(jnp.float32), b0.astype(jnp.float32),
                        b1.astype(jnp.float32), n)

# --- scband reference (transcript-rebuilt; emitter-appended) ---
"""Pipeline reference for scband-graph-convolution-12790412607564 (READ-ONLY COPY).

The authoritative reference and input builder live on the scoring server;
editing this copy changes nothing except your own understanding.
"""

import jax, jax.numpy as jnp
import numpy as np
jax.config.update("jax_enable_x64", True)

N_NODES = 10000
D_IN = 128
D_HID = 128
E_PER_TYPE = 160000

def setup_inputs(seed: int = 0) -> dict:
    key = jax.random.key(seed)
    ks = jax.random.split(key, 7)
    x = jax.random.normal(ks[0], (N_NODES, D_IN), dtype=jnp.float32)
    edge_index0 = jax.random.randint(ks[1], (2, E_PER_TYPE), 0, N_NODES, dtype=jnp.int64)
    edge_index1 = jax.random.randint(ks[2], (2, E_PER_TYPE), 0, N_NODES, dtype=jnp.int64)
    # nn.Linear params for each canonical etype: weight [out, in] applied as x @ W.T + b
    lim0 = 1.0 / np.sqrt(D_IN)
    W0 = jax.random.uniform(ks[3], (D_HID, D_IN), minval=-lim0, maxval=lim0, dtype=jnp.float32)
    b0 = jax.random.uniform(ks[4], (D_HID,), minval=-lim0, maxval=lim0, dtype=jnp.float32)
    W1 = jax.random.uniform(ks[5], (D_HID, D_IN), minval=-lim0, maxval=lim0, dtype=jnp.float32)
    b1 = jax.random.uniform(ks[6], (D_HID,), minval=-lim0, maxval=lim0, dtype=jnp.float32)
    return {"x": x, "edge_index0": edge_index0, "edge_index1": edge_index1,
            "W0": W0, "b0": b0, "W1": W1, "b1": b1}

def _etype_mean_aggregate(x, W, b, edge_index, n_nodes):
    # Wh = Linear(x); copy_u('h','m'); mean('m','h') per dst node
    Wh = x @ W.T + b
    src = edge_index[0]
    dst = edge_index[1]
    msg = jnp.take(Wh, src, axis=0)                       # gather (copy_u)
    summed = jax.ops.segment_sum(msg, dst, num_segments=n_nodes)  # scatter-add
    cnt = jax.ops.segment_sum(jnp.ones((src.shape[0],), dtype=Wh.dtype), dst, num_segments=n_nodes)
    return summed / jnp.maximum(cnt, 1.0)[:, None]

def reference(x, edge_index0, edge_index1, W0, b0, W1, b1):
    n = x.shape[0]
    h0 = _etype_mean_aggregate(x, W0, b0, edge_index0, n)
    h1 = _etype_mean_aggregate(x, W1, b1, edge_index1, n)
    # multi_update_all cross-reducer 'sum' over etypes
    return h0 + h1

if __name__ == "__main__":
    import jax
    _d = setup_inputs()
    print(jax.jit(kernel)(*tuple(_d.values())))

</pallas_src>

<mosaic_0001>
#map = affine_map<(d0, d1) -> (0, 0)>
#map1 = affine_map<(d0, d1) -> (0, 0, 0, 0)>
#map2 = affine_map<(d0, d1) -> (0, 0, 0)>
module attributes {stable_mosaic.version = 14 : i64} {
  func.func @k(%arg0: i32, %arg1: i32, %arg2: memref<10000x144xf32, #tpu.memory_space<hbm>>, %arg3: memref<2x16x158x64xi32, #tpu.memory_space<hbm>>, %arg4: memref<2x16x158x64xi32, #tpu.memory_space<hbm>>, %arg5: memref<2x10112x128xf32, #tpu.memory_space<hbm>>, %arg6: memref<2x10112x16xf32, #tpu.memory_space<hbm>>, %arg7: memref<158x64xi32, #tpu.memory_space<vmem>>, %arg8: memref<158x64xi32, #tpu.memory_space<vmem>>, %arg9: memref<2x64x144xf32, #tpu.memory_space<vmem>>, %arg10: memref<10112x144xf32, #tpu.memory_space<vmem_shared>>, %arg11: memref<2x!tpu.dma_semaphore, #tpu.memory_space<semaphore_mem>>, %arg12: memref<2x!tpu.dma_semaphore, #tpu.memory_space<semaphore_mem>>) attributes {dimension_semantics = [#tpu.dimension_semantics<core_parallel>, #tpu.dimension_semantics<subcore_parallel>], iteration_bounds = array<i64: 2, 16>, scalar_prefetch = 0 : i64, scratch_operands = 6 : i64, tpu.core_type = #tpu.core_type<sc_vector_subcore>, window_params = [{transform_indices = #map}, {transform_indices = #map1}, {transform_indices = #map1}, {transform_indices = #map2}, {transform_indices = #map2}]} {
    %mul3A = arith.constant 632 : i32
    %mul3A_0 = arith.muli %arg1, %mul3A : i32
    %broadcast_in_dim3A = arith.constant 0.000000e+00 : f32
    %broadcast_in_dim3A_1 = vector.broadcast %broadcast_in_dim3A : f32 to vector<16xf32>
    %scan3A = arith.constant 0 : i32
    %scan3A_2 = arith.constant 0 : i32
    %scan3A_3 = arith.constant 64 : i32
    %scan3A_4 = arith.addi %scan3A_2, %scan3A_3 : i32
    %scan3A_5 = arith.constant 1 : i32
    scf.for %scan3A_111 = %scan3A_2 to %scan3A_4 step %scan3A_5  : i32 {
      %scan3A_112 = arith.constant 0 : i32
      %scan3A_113 = arith.constant 9 : i32
      %scan3A_114 = arith.addi %scan3A_112, %scan3A_113 : i32
      %scan3A_115 = arith.constant 1 : i32
      scf.for %scan3A_117 = %scan3A_112 to %scan3A_114 step %scan3A_115  : i32 {
        %mul3A_118 = arith.constant 16 : i32
        %mul3A_119 = arith.muli %scan3A_117, %mul3A_118 : i32
        %swap3A = arith.constant 0 : i32
        %swap3A_120 = arith.index_cast %swap3A : i32 to index
        %swap3A_121 = arith.index_cast %scan3A_111 : i32 to index
        %swap3A_122 = arith.index_cast %mul3A_119 : i32 to index
        %swap3A_123 = tpu.vector_load %arg9[%swap3A_120, %swap3A_121, %swap3A_122] {strides = array<i32>} : memref<2x64x144xf32, #tpu.memory_space<vmem>>, vector<1x1x16xf32>,
        %swap3A_124 = vector.shape_cast %swap3A_123 : vector<1x1x16xf32> to vector<16xf32>
        %swap3A_125 = vector.shape_cast %broadcast_in_dim3A_1 : vector<16xf32> to vector<1x1x16xf32>
        tpu.vector_store %arg9[%swap3A_120, %swap3A_121, %swap3A_122], %swap3A_125 {strides = array<i32>} : memref<2x64x144xf32, #tpu.memory_space<vmem>>, vector<1x1x16xf32>,
      }
      %scan3A_116 = arith.constant 9 : i32
    }
    %scan3A_6 = arith.constant 64 : i32
    %add3A = arith.constant 0 : i32
    %add3A_7 = arith.addi %mul3A_0, %add3A : i32
    %run_scoped3A = arith.constant 0 : i32
    "tpu.region"() ({
      %run_scoped3A_111 = tpu.sem_alloc : memref<!tpu.dma_semaphore, #tpu.memory_space<semaphore_mem>>
      %dma_start3A_112 = arith.constant 0 : i32
      %dma_start3A_113 = arith.constant 0 : i32
      %dma_start3A_114 = tpu.memref_slice %arg9[%run_scoped3A, %dma_start3A_112, %dma_start3A_113] : memref<2x64x144xf32, #tpu.memory_space<vmem>> -> memref<1x64x144xf32, #tpu.memory_space<vmem>>
      %dma_start3A_115 = tpu.memref_squeeze %dma_start3A_114 : memref<1x64x144xf32, #tpu.memory_space<vmem>> -> memref<64x144xf32, #tpu.memory_space<vmem>>
      %dma_start3A_116 = arith.constant 0 : i32
      %dma_start3A_117 = tpu.memref_slice %arg10[%add3A_7, %dma_start3A_116] : memref<10112x144xf32, #tpu.memory_space<vmem_shared>> -> memref<64x144xf32, #tpu.memory_space<vmem_shared>>
      %dma_start3A_118 = arith.constant 0 : i32
      %dma_start3A_119 = tpu.memref_slice %arg10[%add3A_7, %dma_start3A_118] : memref<10112x144xf32, #tpu.memory_space<vmem_shared>> -> memref<64x144xf32, #tpu.memory_space<vmem_shared>>
      %dma_start3A_120 = arith.constant 0 : i32
      %dma_start3A_121 = arith.constant 0 : i32
      %dma_start3A_122 = tpu.memref_slice %arg9[%run_scoped3A, %dma_start3A_120, %dma_start3A_121] : memref<2x64x144xf32, #tpu.memory_space<vmem>> -> memref<1x64x144xf32, #tpu.memory_space<vmem>>
      %dma_start3A_123 = tpu.memref_squeeze %dma_start3A_122 : memref<1x64x144xf32, #tpu.memory_space<vmem>> -> memref<64x144xf32, #tpu.memory_space<vmem>>
      tpu.enqueue_dma source(%dma_start3A_123 : memref<64x144xf32, #tpu.memory_space<vmem>>) target(%dma_start3A_119 : memref<64x144xf32, #tpu.memory_space<vmem_shared>>) target_semaphore(%run_scoped3A_111 : memref<!tpu.dma_semaphore, #tpu.memory_space<semaphore_mem>>)
      %dma_wait3A_124 = arith.constant 0 : i32
      %dma_wait3A_125 = arith.constant 0 : i32
      %dma_wait3A_126 = tpu.memref_slice %arg9[%run_scoped3A, %dma_wait3A_124, %dma_wait3A_125] : memref<2x64x144xf32, #tpu.memory_space<vmem>> -> memref<1x64x144xf32, #tpu.memory_space<vmem>>
      %dma_wait3A_127 = tpu.memref_squeeze %dma_wait3A_126 : memref<1x64x144xf32, #tpu.memory_space<vmem>> -> memref<64x144xf32, #tpu.memory_space<vmem>>
      %dma_wait3A_128 = arith.constant 0 : i32
      %dma_wait3A_129 = tpu.memref_slice %arg10[%add3A_7, %dma_wait3A_128] : memref<10112x144xf32, #tpu.memory_space<vmem_shared>> -> memref<64x144xf32, #tpu.memory_space<vmem_shared>>
      %dma_wait3A_130 = arith.constant 0 : i32
      %dma_wait3A_131 = tpu.memref_slice %arg10[%add3A_7, %dma_wait3A_130] : memref<10112x144xf32, #tpu.memory_space<vmem_shared>> -> memref<64x144xf32, #tpu.memory_space<vmem_shared>>
      %dma_wait3A_132 = arith.constant 0 : i32
      %dma_wait3A_133 = arith.constant 0 : i32
      %dma_wait3A_134 = tpu.memref_slice %arg9[%run_scoped3A, %dma_wait3A_132, %dma_wait3A_133] : memref<2x64x144xf32, #tpu.memory_space<vmem>> -> memref<1x64x144xf32, #tpu.memory_space<vmem>>
      %dma_wait3A_135 = tpu.memref_squeeze %dma_wait3A_134 : memref<1x64x144xf32, #tpu.memory_space<vmem>> -> memref<64x144xf32, #tpu.memory_space<vmem>>
      tpu.wait_dma2 semaphore(%run_scoped3A_111 : memref<!tpu.dma_semaphore, #tpu.memory_space<semaphore_mem>>) src(%dma_wait3A_135 : memref<64x144xf32, #tpu.memory_space<vmem>>) dst(%dma_wait3A_131 : memref<64x144xf32, #tpu.memory_space<vmem_shared>>)
      tpu.yield
    }) : () -> ()
    %add3A_8 = arith.constant 64 : i32
    %add3A_9 = arith.addi %mul3A_0, %add3A_8 : i32
    %run_scoped3A_10 = arith.constant 0 : i32
    "tpu.region"() ({
      %run_scoped3A_111 = tpu.sem_alloc : memref<!tpu.dma_semaphore, #tpu.memory_space<semaphore_mem>>
      %dma_start3A_112 = arith.constant 0 : i32
      %dma_start3A_113 = arith.constant 0 : i32
      %dma_start3A_114 = tpu.memref_slice %arg9[%run_scoped3A_10, %dma_start3A_112, %dma_start3A_113] : memref<2x64x144xf32, #tpu.memory_space<vmem>> -> memref<1x64x144xf32, #tpu.memory_space<vmem>>
      %dma_start3A_115 = tpu.memref_squeeze %dma_start3A_114 : memref<1x64x144xf32, #tpu.memory_space<vmem>> -> memref<64x144xf32, #tpu.memory_space<vmem>>
      %dma_start3A_116 = arith.constant 0 : i32
      %dma_start3A_117 = tpu.memref_slice %arg10[%add3A_9, %dma_start3A_116] : memref<10112x144xf32, #tpu.memory_space<vmem_shared>> -> memref<64x144xf32, #tpu.memory_space<vmem_shared>>
      %dma_start3A_118 = arith.constant 0 : i32
      %dma_start3A_119 = tpu.memref_slice %arg10[%add3A_9, %dma_start3A_118] : memref<10112x144xf32, #tpu.memory_space<vmem_shared>> -> memref<64x144xf32, #tpu.memory_space<vmem_shared>>
      %dma_start3A_120 = arith.constant 0 : i32
      %dma_start3A_121 = arith.constant 0 : i32
      %dma_start3A_122 = tpu.memref_slice %arg9[%run_scoped3A_10, %dma_start3A_120, %dma_start3A_121] : memref<2x64x144xf32, #tpu.memory_space<vmem>> -> memref<1x64x144xf32, #tpu.memory_space<vmem>>
      %dma_start3A_123 = tpu.memref_squeeze %dma_start3A_122 : memref<1x64x144xf32, #tpu.memory_space<vmem>> -> memref<64x144xf32, #tpu.memory_space<vmem>>
      tpu.enqueue_dma source(%dma_start3A_123 : memref<64x144xf32, #tpu.memory_space<vmem>>) target(%dma_start3A_119 : memref<64x144xf32, #tpu.memory_space<vmem_shared>>) target_semaphore(%run_scoped3A_111 : memref<!tpu.dma_semaphore, #tpu.memory_space<semaphore_mem>>)
      %dma_wait3A_124 = arith.constant 0 : i32
      %dma_wait3A_125 = arith.constant 0 : i32
      %dma_wait3A_126 = tpu.memref_slice %arg9[%run_scoped3A_10, %dma_wait3A_124, %dma_wait3A_125] : memref<2x64x144xf32, #tpu.memory_space<vmem>> -> memref<1x64x144xf32, #tpu.memory_space<vmem>>
      %dma_wait3A_127 = tpu.memref_squeeze %dma_wait3A_126 : memref<1x64x144xf32, #tpu.memory_space<vmem>> -> memref<64x144xf32, #tpu.memory_space<vmem>>
      %dma_wait3A_128 = arith.constant 0 : i32
      %dma_wait3A_129 = tpu.memref_slice %arg10[%add3A_9, %dma_wait3A_128] : memref<10112x144xf32, #tpu.memory_space<vmem_shared>> -> memref<64x144xf32, #tpu.memory_space<vmem_shared>>
      %dma_wait3A_130 = arith.constant 0 : i32
      %dma_wait3A_131 = tpu.memref_slice %arg10[%add3A_9, %dma_wait3A_130] : memref<10112x144xf32, #tpu.memory_space<vmem_shared>> -> memref<64x144xf32, #tpu.memory_space<vmem_shared>>
      %dma_wait3A_132 = arith.constant 0 : i32
      %dma_wait3A_133 = arith.constant 0 : i32
      %dma_wait3A_134 = tpu.memref_slice %arg9[%run_scoped3A_10, %dma_wait3A_132, %dma_wait3A_133] : memref<2x64x144xf32, #tpu.memory_space<vmem>> -> memref<1x64x144xf32, #tpu.memory_space<vmem>>
      %dma_wait3A_135 = tpu.memref_squeeze %dma_wait3A_134 : memref<1x64x144xf32, #tpu.memory_space<vmem>> -> memref<64x144xf32, #tpu.memory_space<vmem>>
      tpu.wait_dma2 semaphore(%run_scoped3A_111 : memref<!tpu.dma_semaphore, #tpu.memory_space<semaphore_mem>>) src(%dma_wait3A_135 : memref<64x144xf32, #tpu.memory_space<vmem>>) dst(%dma_wait3A_131 : memref<64x144xf32, #tpu.memory_space<vmem_shared>>)
      tpu.yield
    }) : () -> ()
    %add3A_11 = arith.constant 128 : i32
    %add3A_12 = arith.addi %mul3A_0, %add3A_11 : i32
    %run_scoped3A_13 = arith.constant 0 : i32
    "tpu.region"() ({
      %run_scoped3A_111 = tpu.sem_alloc : memref<!tpu.dma_semaphore, #tpu.memory_space<semaphore_mem>>
      %dma_start3A_112 = arith.constant 0 : i32
      %dma_start3A_113 = arith.constant 0 : i32
      %dma_start3A_114 = tpu.memref_slice %arg9[%run_scoped3A_13, %dma_start3A_112, %dma_start3A_113] : memref<2x64x144xf32, #tpu.memory_space<vmem>> -> memref<1x64x144xf32, #tpu.memory_space<vmem>>
      %dma_start3A_115 = tpu.memref_squeeze %dma_start3A_114 : memref<1x64x144xf32, #tpu.memory_space<vmem>> -> memref<64x144xf32, #tpu.memory_space<vmem>>
      %dma_start3A_116 = arith.constant 0 : i32
      %dma_start3A_117 = tpu.memref_slice %arg10[%add3A_12, %dma_start3A_116] : memref<10112x144xf32, #tpu.memory_space<vmem_shared>> -> memref<64x144xf32, #tpu.memory_space<vmem_shared>>
      %dma_start3A_118 = arith.constant 0 : i32
      %dma_start3A_119 = tpu.memref_slice %arg10[%add3A_12, %dma_start3A_118] : memref<10112x144xf32, #tpu.memory_space<vmem_shared>> -> memref<64x144xf32, #tpu.memory_space<vmem_shared>>
      %dma_start3A_120 = arith.constant 0 : i32
      %dma_start3A_121 = arith.constant 0 : i32
      %dma_start3A_122 = tpu.memref_slice %arg9[%run_scoped3A_13, %dma_start3A_120, %dma_start3A_121] : memref<2x64x144xf32, #tpu.memory_space<vmem>> -> memref<1x64x144xf32, #tpu.memory_space<vmem>>
      %dma_start3A_123 = tpu.memref_squeeze %dma_start3A_122 : memref<1x64x144xf32, #tpu.memory_space<vmem>> -> memref<64x144xf32, #tpu.memory_space<vmem>>
      tpu.enqueue_dma source(%dma_start3A_123 : memref<64x144xf32, #tpu.memory_space<vmem>>) target(%dma_start3A_119 : memref<64x144xf32, #tpu.memory_space<vmem_shared>>) target_semaphore(%run_scoped3A_111 : memref<!tpu.dma_semaphore, #tpu.memory_space<semaphore_mem>>)
      %dma_wait3A_124 = arith.constant 0 : i32
      %dma_wait3A_125 = arith.constant 0 : i32
      %dma_wait3A_126 = tpu.memref_slice %arg9[%run_scoped3A_13, %dma_wait3A_124, %dma_wait3A_125] : memref<2x64x144xf32, #tpu.memory_space<vmem>> -> memref<1x64x144xf32, #tpu.memory_space<vmem>>
      %dma_wait3A_127 = tpu.memref_squeeze %dma_wait3A_126 : memref<1x64x144xf32, #tpu.memory_space<vmem>> -> memref<64x144xf32, #tpu.memory_space<vmem>>
      %dma_wait3A_128 = arith.constant 0 : i32
      %dma_wait3A_129 = tpu.memref_slice %arg10[%add3A_12, %dma_wait3A_128] : memref<10112x144xf32, #tpu.memory_space<vmem_shared>> -> memref<64x144xf32, #tpu.memory_space<vmem_shared>>
      %dma_wait3A_130 = arith.constant 0 : i32
      %dma_wait3A_131 = tpu.memref_slice %arg10[%add3A_12, %dma_wait3A_130] : memref<10112x144xf32, #tpu.memory_space<vmem_shared>> -> memref<64x144xf32, #tpu.memory_space<vmem_shared>>
      %dma_wait3A_132 = arith.constant 0 : i32
      %dma_wait3A_133 = arith.constant 0 : i32
      %dma_wait3A_134 = tpu.memref_slice %arg9[%run_scoped3A_13, %dma_wait3A_132, %dma_wait3A_133] : memref<2x64x144xf32, #tpu.memory_space<vmem>> -> memref<1x64x144xf32, #tpu.memory_space<vmem>>
      %dma_wait3A_135 = tpu.memref_squeeze %dma_wait3A_134 : memref<1x64x144xf32, #tpu.memory_space<vmem>> -> memref<64x144xf32, #tpu.memory_space<vmem>>
      tpu.wait_dma2 semaphore(%run_scoped3A_111 : memref<!tpu.dma_semaphore, #tpu.memory_space<semaphore_mem>>) src(%dma_wait3A_135 : memref<64x144xf32, #tpu.memory_space<vmem>>) dst(%dma_wait3A_131 : memref<64x144xf32, #tpu.memory_space<vmem_shared>>)
      tpu.yield
    }) : () -> ()
    %add3A_14 = arith.constant 192 : i32
    %add3A_15 = arith.addi %mul3A_0, %add3A_14 : i32
    %run_scoped3A_16 = arith.constant 0 : i32
    "tpu.region"() ({
      %run_scoped3A_111 = tpu.sem_alloc : memref<!tpu.dma_semaphore, #tpu.memory_space<semaphore_mem>>
      %dma_start3A_112 = arith.constant 0 : i32
      %dma_start3A_113 = arith.constant 0 : i32
      %dma_start3A_114 = tpu.memref_slice %arg9[%run_scoped3A_16, %dma_start3A_112, %dma_start3A_113] : memref<2x64x144xf32, #tpu.memory_space<vmem>> -> memref<1x64x144xf32, #tpu.memory_space<vmem>>
      %dma_start3A_115 = tpu.memref_squeeze %dma_start3A_114 : memref<1x64x144xf32, #tpu.memory_space<vmem>> -> memref<64x144xf32, #tpu.memory_space<vmem>>
      %dma_start3A_116 = arith.constant 0 : i32
      %dma_start3A_117 = tpu.memref_slice %arg10[%add3A_15, %dma_start3A_116] : memref<10112x144xf32, #tpu.memory_space<vmem_shared>> -> memref<64x144xf32, #tpu.memory_space<vmem_shared>>
      %dma_start3A_118 = arith.constant 0 : i32
      %dma_start3A_119 = tpu.memref_slice %arg10[%add3A_15, %dma_start3A_118] : memref<10112x144xf32, #tpu.memory_space<vmem_shared>> -> memref<64x144xf32, #tpu.memory_space<vmem_shared>>
      %dma_start3A_120 = arith.constant 0 : i32
      %dma_start3A_121 = arith.constant 0 : i32
      %dma_start3A_122 = tpu.memref_slice %arg9[%run_scoped3A_16, %dma_start3A_120, %dma_start3A_121] : memref<2x64x144xf32, #tpu.memory_space<vmem>> -> memref<1x64x144xf32, #tpu.memory_space<vmem>>
      %dma_start3A_123 = tpu.memref_squeeze %dma_start3A_122 : memref<1x64x144xf32, #tpu.memory_space<vmem>> -> memref<64x144xf32, #tpu.memory_space<vmem>>
      tpu.enqueue_dma source(%dma_start3A_123 : memref<64x144xf32, #tpu.memory_space<vmem>>) target(%dma_start3A_119 : memref<64x144xf32, #tpu.memory_space<vmem_shared>>) target_semaphore(%run_scoped3A_111 : memref<!tpu.dma_semaphore, #tpu.memory_space<semaphore_mem>>)
      %dma_wait3A_124 = arith.constant 0 : i32
      %dma_wait3A_125 = arith.constant 0 : i32
      %dma_wait3A_126 = tpu.memref_slice %arg9[%run_scoped3A_16, %dma_wait3A_124, %dma_wait3A_125] : memref<2x64x144xf32, #tpu.memory_space<vmem>> -> memref<1x64x144xf32, #tpu.memory_space<vmem>>
      %dma_wait3A_127 = tpu.memref_squeeze %dma_wait3A_126 : memref<1x64x144xf32, #tpu.memory_space<vmem>> -> memref<64x144xf32, #tpu.memory_space<vmem>>
      %dma_wait3A_128 = arith.constant 0 : i32
      %dma_wait3A_129 = tpu.memref_slice %arg10[%add3A_15, %dma_wait3A_128] : memref<10112x144xf32, #tpu.memory_space<vmem_shared>> -> memref<64x144xf32, #tpu.memory_space<vmem_shared>>
      %dma_wait3A_130 = arith.constant 0 : i32
      %dma_wait3A_131 = tpu.memref_slice %arg10[%add3A_15, %dma_wait3A_130] : memref<10112x144xf32, #tpu.memory_space<vmem_shared>> -> memref<64x144xf32, #tpu.memory_space<vmem_shared>>
      %dma_wait3A_132 = arith.constant 0 : i32
      %dma_wait3A_133 = arith.constant 0 : i32
      %dma_wait3A_134 = tpu.memref_slice %arg9[%run_scoped3A_16, %dma_wait3A_132, %dma_wait3A_133] : memref<2x64x144xf32, #tpu.memory_space<vmem>> -> memref<1x64x144xf32, #tpu.memory_space<vmem>>
      %dma_wait3A_135 = tpu.memref_squeeze %dma_wait3A_134 : memref<1x64x144xf32, #tpu.memory_space<vmem>> -> memref<64x144xf32, #tpu.memory_space<vmem>>
      tpu.wait_dma2 semaphore(%run_scoped3A_111 : memref<!tpu.dma_semaphore, #tpu.memory_space<semaphore_mem>>) src(%dma_wait3A_135 : memref<64x144xf32, #tpu.memory_space<vmem>>) dst(%dma_wait3A_131 : memref<64x144xf32, #tpu.memory_space<vmem_shared>>)
      tpu.yield
    }) : () -> ()
    %add3A_17 = arith.constant 256 : i32
    %add3A_18 = arith.addi %mul3A_0, %add3A_17 : i32
    %run_scoped3A_19 = arith.constant 0 : i32
    "tpu.region"() ({
      %run_scoped3A_111 = tpu.sem_alloc : memref<!tpu.dma_semaphore, #tpu.memory_space<semaphore_mem>>
      %dma_start3A_112 = arith.constant 0 : i32
      %dma_start3A_113 = arith.constant 0 : i32
      %dma_start3A_114 = tpu.memref_slice %arg9[%run_scoped3A_19, %dma_start3A_112, %dma_start3A_113] : memref<2x64x144xf32, #tpu.memory_space<vmem>> -> memref<1x64x144xf32, #tpu.memory_space<vmem>>
      %dma_start3A_115 = tpu.memref_squeeze %dma_start3A_114 : memref<1x64x144xf32, #tpu.memory_space<vmem>> -> memref<64x144xf32, #tpu.memory_space<vmem>>
      %dma_start3A_116 = arith.constant 0 : i32
      %dma_start3A_117 = tpu.memref_slice %arg10[%add3A_18, %dma_start3A_116] : memref<10112x144xf32, #tpu.memory_space<vmem_shared>> -> memref<64x144xf32, #tpu.memory_space<vmem_shared>>
      %dma_start3A_118 = arith.constant 0 : i32
      %dma_start3A_119 = tpu.memref_slice %arg10[%add3A_18, %dma_start3A_118] : memref<10112x144xf32, #tpu.memory_space<vmem_shared>> -> memref<64x144xf32, #tpu.memory_space<vmem_shared>>
      %dma_start3A_120 = arith.constant 0 : i32
      %dma_start3A_121 = arith.constant 0 : i32
      %dma_start3A_122 = tpu.memref_slice %arg9[%run_scoped3A_19, %dma_start3A_120, %dma_start3A_121] : memref<2x64x144xf32, #tpu.memory_space<vmem>> -> memref<1x64x144xf32, #tpu.memory_space<vmem>>
      %dma_start3A_123 = tpu.memref_squeeze %dma_start3A_122 : memref<1x64x144xf32, #tpu.memory_space<vmem>> -> memref<64x144xf32, #tpu.memory_space<vmem>>
      tpu.enqueue_dma source(%dma_start3A_123 : memref<64x144xf32, #tpu.memory_space<vmem>>) target(%dma_start3A_119 : memref<64x144xf32, #tpu.memory_space<vmem_shared>>) target_semaphore(%run_scoped3A_111 : memref<!tpu.dma_semaphore, #tpu.memory_space<semaphore_mem>>)
      %dma_wait3A_124 = arith.constant 0 : i32
      %dma_wait3A_125 = arith.constant 0 : i32
      %dma_wait3A_126 = tpu.memref_slice %arg9[%run_scoped3A_19, %dma_wait3A_124, %dma_wait3A_125] : memref<2x64x144xf32, #tpu.memory_space<vmem>> -> memref<1x64x144xf32, #tpu.memory_space<vmem>>
      %dma_wait3A_127 = tpu.memref_squeeze %dma_wait3A_126 : memref<1x64x144xf32, #tpu.memory_space<vmem>> -> memref<64x144xf32, #tpu.memory_space<vmem>>
      %dma_wait3A_128 = arith.constant 0 : i32
      %dma_wait3A_129 = tpu.memref_slice %arg10[%add3A_18, %dma_wait3A_128] : memref<10112x144xf32, #tpu.memory_space<vmem_shared>> -> memref<64x144xf32, #tpu.memory_space<vmem_shared>>
      %dma_wait3A_130 = arith.constant 0 : i32
      %dma_wait3A_131 = tpu.memref_slice %arg10[%add3A_18, %dma_wait3A_130] : memref<10112x144xf32, #tpu.memory_space<vmem_shared>> -> memref<64x144xf32, #tpu.memory_space<vmem_shared>>
      %dma_wait3A_132 = arith.constant 0 : i32
      %dma_wait3A_133 = arith.constant 0 : i32
      %dma_wait3A_134 = tpu.memref_slice %arg9[%run_scoped3A_19, %dma_wait3A_132, %dma_wait3A_133] : memref<2x64x144xf32, #tpu.memory_space<vmem>> -> memref<1x64x144xf32, #tpu.memory_space<vmem>>
      %dma_wait3A_135 = tpu.memref_squeeze %dma_wait3A_134 : memref<1x64x144xf32, #tpu.memory_space<vmem>> -> memref<64x144xf32, #tpu.memory_space<vmem>>
      tpu.wait_dma2 semaphore(%run_scoped3A_111 : memref<!tpu.dma_semaphore, #tpu.memory_space<semaphore_mem>>) src(%dma_wait3A_135 : memref<64x144xf32, #tpu.memory_space<vmem>>) dst(%dma_wait3A_131 : memref<64x144xf32, #tpu.memory_space<vmem_shared>>)
      tpu.yield
    }) : () -> ()
    %add3A_20 = arith.constant 320 : i32
    %add3A_21 = arith.addi %mul3A_0, %add3A_20 : i32
    %run_scoped3A_22 = arith.constant 0 : i32
    "tpu.region"() ({
      %run_scoped3A_111 = tpu.sem_alloc : memref<!tpu.dma_semaphore, #tpu.memory_space<semaphore_mem>>
      %dma_start3A_112 = arith.constant 0 : i32
      %dma_start3A_113 = arith.constant 0 : i32
      %dma_start3A_114 = tpu.memref_slice %arg9[%run_scoped3A_22, %dma_start3A_112, %dma_start3A_113] : memref<2x64x144xf32, #tpu.memory_space<vmem>> -> memref<1x64x144xf32, #tpu.memory_space<vmem>>
      %dma_start3A_115 = tpu.memref_squeeze %dma_start3A_114 : memref<1x64x144xf32, #tpu.memory_space<vmem>> -> memref<64x144xf32, #tpu.memory_space<vmem>>
      %dma_start3A_116 = arith.constant 0 : i32
      %dma_start3A_117 = tpu.memref_slice %arg10[%add3A_21, %dma_start3A_116] : memref<10112x144xf32, #tpu.memory_space<vmem_shared>> -> memref<64x144xf32, #tpu.memory_space<vmem_shared>>
      %dma_start3A_118 = arith.constant 0 : i32
      %dma_start3A_119 = tpu.memref_slice %arg10[%add3A_21, %dma_start3A_118] : memref<10112x144xf32, #tpu.memory_space<vmem_shared>> -> memref<64x144xf32, #tpu.memory_space<vmem_shared>>
      %dma_start3A_120 = arith.constant 0 : i32
      %dma_start3A_121 = arith.constant 0 : i32
      %dma_start3A_122 = tpu.memref_slice %arg9[%run_scoped3A_22, %dma_start3A_120, %dma_start3A_121] : memref<2x64x144xf32, #tpu.memory_space<vmem>> -> memref<1x64x144xf32, #tpu.memory_space<vmem>>
      %dma_start3A_123 = tpu.memref_squeeze %dma_start3A_122 : memref<1x64x144xf32, #tpu.memory_space<vmem>> -> memref<64x144xf32, #tpu.memory_space<vmem>>
      tpu.enqueue_dma source(%dma_start3A_123 : memref<64x144xf32, #tpu.memory_space<vmem>>) target(%dma_start3A_119 : memref<64x144xf32, #tpu.memory_space<vmem_shared>>) target_semaphore(%run_scoped3A_111 : memref<!tpu.dma_semaphore, #tpu.memory_space<semaphore_mem>>)
      %dma_wait3A_124 = arith.constant 0 : i32
      %dma_wait3A_125 = arith.constant 0 : i32
      %dma_wait3A_126 = tpu.memref_slice %arg9[%run_scoped3A_22, %dma_wait3A_124, %dma_wait3A_125] : memref<2x64x144xf32, #tpu.memory_space<vmem>> -> memref<1x64x144xf32, #tpu.memory_space<vmem>>
      %dma_wait3A_127 = tpu.memref_squeeze %dma_wait3A_126 : memref<1x64x144xf32, #tpu.memory_space<vmem>> -> memref<64x144xf32, #tpu.memory_space<vmem>>
      %dma_wait3A_128 = arith.constant 0 : i32
      %dma_wait3A_129 = tpu.memref_slice %arg10[%add3A_21, %dma_wait3A_128] : memref<10112x144xf32, #tpu.memory_space<vmem_shared>> -> memref<64x144xf32, #tpu.memory_space<vmem_shared>>
      %dma_wait3A_130 = arith.constant 0 : i32
      %dma_wait3A_131 = tpu.memref_slice %arg10[%add3A_21, %dma_wait3A_130] : memref<10112x144xf32, #tpu.memory_space<vmem_shared>> -> memref<64x144xf32, #tpu.memory_space<vmem_shared>>
      %dma_wait3A_132 = arith.constant 0 : i32
      %dma_wait3A_133 = arith.constant 0 : i32
      %dma_wait3A_134 = tpu.memref_slice %arg9[%run_scoped3A_22, %dma_wait3A_132, %dma_wait3A_133] : memref<2x64x144xf32, #tpu.memory_space<vmem>> -> memref<1x64x144xf32, #tpu.memory_space<vmem>>
      %dma_wait3A_135 = tpu.memref_squeeze %dma_wait3A_134 : memref<1x64x144xf32, #tpu.memory_space<vmem>> -> memref<64x144xf32, #tpu.memory_space<vmem>>
      tpu.wait_dma2 semaphore(%run_scoped3A_111 : memref<!tpu.dma_semaphore, #tpu.memory_space<semaphore_mem>>) src(%dma_wait3A_135 : memref<64x144xf32, #tpu.memory_space<vmem>>) dst(%dma_wait3A_131 : memref<64x144xf32, #tpu.memory_space<vmem_shared>>)
      tpu.yield
    }) : () -> ()
    %add3A_23 = arith.constant 384 : i32
    %add3A_24 = arith.addi %mul3A_0, %add3A_23 : i32
    %run_scoped3A_25 = arith.constant 0 : i32
    "tpu.region"() ({
      %run_scoped3A_111 = tpu.sem_alloc : memref<!tpu.dma_semaphore, #tpu.memory_space<semaphore_mem>>
      %dma_start3A_112 = arith.constant 0 : i32
      %dma_start3A_113 = arith.constant 0 : i32
      %dma_start3A_114 = tpu.memref_slice %arg9[%run_scoped3A_25, %dma_start3A_112, %dma_start3A_113] : memref<2x64x144xf32, #tpu.memory_space<vmem>> -> memref<1x64x144xf32, #tpu.memory_space<vmem>>
      %dma_start3A_115 = tpu.memref_squeeze %dma_start3A_114 : memref<1x64x144xf32, #tpu.memory_space<vmem>> -> memref<64x144xf32, #tpu.memory_space<vmem>>
      %dma_start3A_116 = arith.constant 0 : i32
      %dma_start3A_117 = tpu.memref_slice %arg10[%add3A_24, %dma_start3A_116] : memref<10112x144xf32, #tpu.memory_space<vmem_shared>> -> memref<64x144xf32, #tpu.memory_space<vmem_shared>>
      %dma_start3A_118 = arith.constant 0 : i32
      %dma_start3A_119 = tpu.memref_slice %arg10[%add3A_24, %dma_start3A_118] : memref<10112x144xf32, #tpu.memory_space<vmem_shared>> -> memref<64x144xf32, #tpu.memory_space<vmem_shared>>
      %dma_start3A_120 = arith.constant 0 : i32
      %dma_start3A_121 = arith.constant 0 : i32
      %dma_start3A_122 = tpu.memref_slice %arg9[%run_scoped3A_25, %dma_start3A_120, %dma_start3A_121] : memref<2x64x144xf32, #tpu.memory_space<vmem>> -> memref<1x64x144xf32, #tpu.memory_space<vmem>>
      %dma_start3A_123 = tpu.memref_squeeze %dma_start3A_122 : memref<1x64x144xf32, #tpu.memory_space<vmem>> -> memref<64x144xf32, #tpu.memory_space<vmem>>
      tpu.enqueue_dma source(%dma_start3A_123 : memref<64x144xf32, #tpu.memory_space<vmem>>) target(%dma_start3A_119 : memref<64x144xf32, #tpu.memory_space<vmem_shared>>) target_semaphore(%run_scoped3A_111 : memref<!tpu.dma_semaphore, #tpu.memory_space<semaphore_mem>>)
      %dma_wait3A_124 = arith.constant 0 : i32
      %dma_wait3A_125 = arith.constant 0 : i32
      %dma_wait3A_126 = tpu.memref_slice %arg9[%run_scoped3A_25, %dma_wait3A_124, %dma_wait3A_125] : memref<2x64x144xf32, #tpu.memory_space<vmem>> -> memref<1x64x144xf32, #tpu.memory_space<vmem>>
      %dma_wait3A_127 = tpu.memref_squeeze %dma_wait3A_126 : memref<1x64x144xf32, #tpu.memory_space<vmem>> -> memref<64x144xf32, #tpu.memory_space<vmem>>
      %dma_wait3A_128 = arith.constant 0 : i32
      %dma_wait3A_129 = tpu.memref_slice %arg10[%add3A_24, %dma_wait3A_128] : memref<10112x144xf32, #tpu.memory_space<vmem_shared>> -> memref<64x144xf32, #tpu.memory_space<vmem_shared>>
      %dma_wait3A_130 = arith.constant 0 : i32
      %dma_wait3A_131 = tpu.memref_slice %arg10[%add3A_24, %dma_wait3A_130] : memref<10112x144xf32, #tpu.memory_space<vmem_shared>> -> memref<64x144xf32, #tpu.memory_space<vmem_shared>>
      %dma_wait3A_132 = arith.constant 0 : i32
      %dma_wait3A_133 = arith.constant 0 : i32
      %dma_wait3A_134 = tpu.memref_slice %arg9[%run_scoped3A_25, %dma_wait3A_132, %dma_wait3A_133] : memref<2x64x144xf32, #tpu.memory_space<vmem>> -> memref<1x64x144xf32, #tpu.memory_space<vmem>>
      %dma_wait3A_135 = tpu.memref_squeeze %dma_wait3A_134 : memref<1x64x144xf32, #tpu.memory_space<vmem>> -> memref<64x144xf32, #tpu.memory_space<vmem>>
      tpu.wait_dma2 semaphore(%run_scoped3A_111 : memref<!tpu.dma_semaphore, #tpu.memory_space<semaphore_mem>>) src(%dma_wait3A_135 : memref<64x144xf32, #tpu.memory_space<vmem>>) dst(%dma_wait3A_131 : memref<64x144xf32, #tpu.memory_space<vmem_shared>>)
      tpu.yield
    }) : () -> ()
    %add3A_26 = arith.constant 448 : i32
    %add3A_27 = arith.addi %mul3A_0, %add3A_26 : i32
    %run_scoped3A_28 = arith.constant 0 : i32
    "tpu.region"() ({
      %run_scoped3A_111 = tpu.sem_alloc : memref<!tpu.dma_semaphore, #tpu.memory_space<semaphore_mem>>
      %dma_start3A_112 = arith.constant 0 : i32
      %dma_start3A_113 = arith.constant 0 : i32
      %dma_start3A_114 = tpu.memref_slice %arg9[%run_scoped3A_28, %dma_start3A_112, %dma_start3A_113] : memref<2x64x144xf32, #tpu.memory_space<vmem>> -> memref<1x64x144xf32, #tpu.memory_space<vmem>>
      %dma_start3A_115 = tpu.memref_squeeze %dma_start3A_114 : memref<1x64x144xf32, #tpu.memory_space<vmem>> -> memref<64x144xf32, #tpu.memory_space<vmem>>
      %dma_start3A_116 = arith.constant 0 : i32
      %dma_start3A_117 = tpu.memref_slice %arg10[%add3A_27, %dma_start3A_116] : memref<10112x144xf32, #tpu.memory_space<vmem_shared>> -> memref<64x144xf32, #tpu.memory_space<vmem_shared>>
      %dma_start3A_118 = arith.constant 0 : i32
      %dma_start3A_119 = tpu.memref_slice %arg10[%add3A_27, %dma_start3A_118] : memref<10112x144xf32, #tpu.memory_space<vmem_shared>> -> memref<64x144xf32, #tpu.memory_space<vmem_shared>>
      %dma_start3A_120 = arith.constant 0 : i32
      %dma_start3A_121 = arith.constant 0 : i32
      %dma_start3A_122 = tpu.memref_slice %arg9[%run_scoped3A_28, %dma_start3A_120, %dma_start3A_121] : memref<2x64x144xf32, #tpu.memory_space<vmem>> -> memref<1x64x144xf32, #tpu.memory_space<vmem>>
      %dma_start3A_123 = tpu.memref_squeeze %dma_start3A_122 : memref<1x64x144xf32, #tpu.memory_space<vmem>> -> memref<64x144xf32, #tpu.memory_space<vmem>>
      tpu.enqueue_dma source(%dma_start3A_123 : memref<64x144xf32, #tpu.memory_space<vmem>>) target(%dma_start3A_119 : memref<64x144xf32, #tpu.memory_space<vmem_shared>>) target_semaphore(%run_scoped3A_111 : memref<!tpu.dma_semaphore, #tpu.memory_space<semaphore_mem>>)
      %dma_wait3A_124 = arith.constant 0 : i32
      %dma_wait3A_125 = arith.constant 0 : i32
      %dma_wait3A_126 = tpu.memref_slice %arg9[%run_scoped3A_28, %dma_wait3A_124, %dma_wait3A_125] : memref<2x64x144xf32, #tpu.memory_space<vmem>> -> memref<1x64x144xf32, #tpu.memory_space<vmem>>
      %dma_wait3A_127 = tpu.memref_squeeze %dma_wait3A_126 : memref<1x64x144xf32, #tpu.memory_space<vmem>> -> memref<64x144xf32, #tpu.memory_space<vmem>>
      %dma_wait3A_128 = arith.constant 0 : i32
      %dma_wait3A_129 = tpu.memref_slice %arg10[%add3A_27, %dma_wait3A_128] : memref<10112x144xf32, #tpu.memory_space<vmem_shared>> -> memref<64x144xf32, #tpu.memory_space<vmem_shared>>
      %dma_wait3A_130 = arith.constant 0 : i32
      %dma_wait3A_131 = tpu.memref_slice %arg10[%add3A_27, %dma_wait3A_130] : memref<10112x144xf32, #tpu.memory_space<vmem_shared>> -> memref<64x144xf32, #tpu.memory_space<vmem_shared>>
      %dma_wait3A_132 = arith.constant 0 : i32
      %dma_wait3A_133 = arith.constant 0 : i32
      %dma_wait3A_134 = tpu.memref_slice %arg9[%run_scoped3A_28, %dma_wait3A_132, %dma_wait3A_133] : memref<2x64x144xf32, #tpu.memory_space<vmem>> -> memref<1x64x144xf32, #tpu.memory_space<vmem>>
      %dma_wait3A_135 = tpu.memref_squeeze %dma_wait3A_134 : memref<1x64x144xf32, #tpu.memory_space<vmem>> -> memref<64x144xf32, #tpu.memory_space<vmem>>
      tpu.wait_dma2 semaphore(%run_scoped3A_111 : memref<!tpu.dma_semaphore, #tpu.memory_space<semaphore_mem>>) src(%dma_wait3A_135 : memref<64x144xf32, #tpu.memory_space<vmem>>) dst(%dma_wait3A_131 : memref<64x144xf32, #tpu.memory_space<vmem_shared>>)
      tpu.yield
    }) : () -> ()
    %add3A_29 = arith.constant 512 : i32
    %add3A_30 = arith.addi %mul3A_0, %add3A_29 : i32
    %run_scoped3A_31 = arith.constant 0 : i32
    "tpu.region"() ({
      %run_scoped3A_111 = tpu.sem_alloc : memref<!tpu.dma_semaphore, #tpu.memory_space<semaphore_mem>>
      %dma_start3A_112 = arith.constant 0 : i32
      %dma_start3A_113 = arith.constant 0 : i32
      %dma_start3A_114 = tpu.memref_slice %arg9[%run_scoped3A_31, %dma_start3A_112, %dma_start3A_113] : memref<2x64x144xf32, #tpu.memory_space<vmem>> -> memref<1x64x144xf32, #tpu.memory_space<vmem>>
      %dma_start3A_115 = tpu.memref_squeeze %dma_start3A_114 : memref<1x64x144xf32, #tpu.memory_space<vmem>> -> memref<64x144xf32, #tpu.memory_space<vmem>>
      %dma_start3A_116 = arith.constant 0 : i32
      %dma_start3A_117 = tpu.memref_slice %arg10[%add3A_30, %dma_start3A_116] : memref<10112x144xf32, #tpu.memory_space<vmem_shared>> -> memref<64x144xf32, #tpu.memory_space<vmem_shared>>
      %dma_start3A_118 = arith.constant 0 : i32
      %dma_start3A_119 = tpu.memref_slice %arg10[%add3A_30, %dma_start3A_118] : memref<10112x144xf32, #tpu.memory_space<vmem_shared>> -> memref<64x144xf32, #tpu.memory_space<vmem_shared>>
      %dma_start3A_120 = arith.constant 0 : i32
      %dma_start3A_121 = arith.constant 0 : i32
      %dma_start3A_122 = tpu.memref_slice %arg9[%run_scoped3A_31, %dma_start3A_120, %dma_start3A_121] : memref<2x64x144xf32, #tpu.memory_space<vmem>> -> memref<1x64x144xf32, #tpu.memory_space<vmem>>
      %dma_start3A_123 = tpu.memref_squeeze %dma_start3A_122 : memref<1x64x144xf32, #tpu.memory_space<vmem>> -> memref<64x144xf32, #tpu.memory_space<vmem>>
      tpu.enqueue_dma source(%dma_start3A_123 : memref<64x144xf32, #tpu.memory_space<vmem>>) target(%dma_start3A_119 : memref<64x144xf32, #tpu.memory_space<vmem_shared>>) target_semaphore(%run_scoped3A_111 : memref<!tpu.dma_semaphore, #tpu.memory_space<semaphore_mem>>)
      %dma_wait3A_124 = arith.constant 0 : i32
      %dma_wait3A_125 = arith.constant 0 : i32
      %dma_wait3A_126 = tpu.memref_slice %arg9[%run_scoped3A_31, %dma_wait3A_124, %dma_wait3A_125] : memref<2x64x144xf32, #tpu.memory_space<vmem>> -> memref<1x64x144xf32, #tpu.memory_space<vmem>>
      %dma_wait3A_127 = tpu.memref_squeeze %dma_wait3A_126 : memref<1x64x144xf32, #tpu.memory_space<vmem>> -> memref<64x144xf32, #tpu.memory_space<vmem>>
      %dma_wait3A_128 = arith.constant 0 : i32
      %dma_wait3A_129 = tpu.memref_slice %arg10[%add3A_30, %dma_wait3A_128] : memref<10112x144xf32, #tpu.memory_space<vmem_shared>> -> memref<64x144xf32, #tpu.memory_space<vmem_shared>>
      %dma_wait3A_130 = arith.constant 0 : i32
      %dma_wait3A_131 = tpu.memref_slice %arg10[%add3A_30, %dma_wait3A_130] : memref<10112x144xf32, #tpu.memory_space<vmem_shared>> -> memref<64x144xf32, #tpu.memory_space<vmem_shared>>
      %dma_wait3A_132 = arith.constant 0 : i32
      %dma_wait3A_133 = arith.constant 0 : i32
      %dma_wait3A_134 = tpu.memref_slice %arg9[%run_scoped3A_31, %dma_wait3A_132, %dma_wait3A_133] : memref<2x64x144xf32, #tpu.memory_space<vmem>> -> memref<1x64x144xf32, #tpu.memory_space<vmem>>
      %dma_wait3A_135 = tpu.memref_squeeze %dma_wait3A_134 : memref<1x64x144xf32, #tpu.memory_space<vmem>> -> memref<64x144xf32, #tpu.memory_space<vmem>>
      tpu.wait_dma2 semaphore(%run_scoped3A_111 : memref<!tpu.dma_semaphore, #tpu.memory_space<semaphore_mem>>) src(%dma_wait3A_135 : memref<64x144xf32, #tpu.memory_space<vmem>>) dst(%dma_wait3A_131 : memref<64x144xf32, #tpu.memory_space<vmem_shared>>)
      tpu.yield
    }) : () -> ()
    %add3A_32 = arith.constant 632 : i32
    %add3A_33 = arith.addi %mul3A_0, %add3A_32 : i32
    %sub3A = arith.constant 56 : i32
    %sub3A_34 = arith.subi %add3A_33, %sub3A : i32
    %run_scoped3A_35 = arith.constant 0 : i32
    "tpu.region"() ({
      %run_scoped3A_111 = tpu.sem_alloc : memref<!tpu.dma_semaphore, #tpu.memory_space<semaphore_mem>>
      %dma_start3A_112 = arith.constant 0 : i32
      %dma_start3A_113 = arith.constant 0 : i32
      %dma_start3A_114 = tpu.memref_slice %arg9[%run_scoped3A_35, %dma_start3A_112, %dma_start3A_113] : memref<2x64x144xf32, #tpu.memory_space<vmem>> -> memref<1x56x144xf32, #tpu.memory_space<vmem>>
      %dma_start3A_115 = tpu.memref_squeeze %dma_start3A_114 : memref<1x56x144xf32, #tpu.memory_space<vmem>> -> memref<56x144xf32, #tpu.memory_space<vmem>>
      %dma_start3A_116 = arith.constant 0 : i32
      %dma_start3A_117 = tpu.memref_slice %arg10[%sub3A_34, %dma_start3A_116] : memref<10112x144xf32, #tpu.memory_space<vmem_shared>> -> memref<56x144xf32, #tpu.memory_space<vmem_shared>>
      %dma_start3A_118 = arith.constant 0 : i32
      %dma_start3A_119 = tpu.memref_slice %arg10[%sub3A_34, %dma_start3A_118] : memref<10112x144xf32, #tpu.memory_space<vmem_shared>> -> memref<56x144xf32, #tpu.memory_space<vmem_shared>>
      %dma_start3A_120 = arith.constant 0 : i32
      %dma_start3A_121 = arith.constant 0 : i32
      %dma_start3A_122 = tpu.memref_slice %arg9[%run_scoped3A_35, %dma_start3A_120, %dma_start3A_121] : memref<2x64x144xf32, #tpu.memory_space<vmem>> -> memref<1x56x144xf32, #tpu.memory_space<vmem>>
      %dma_start3A_123 = tpu.memref_squeeze %dma_start3A_122 : memref<1x56x144xf32, #tpu.memory_space<vmem>> -> memref<56x144xf32, #tpu.memory_space<vmem>>
      tpu.enqueue_dma source(%dma_start3A_123 : memref<56x144xf32, #tpu.memory_space<vmem>>) target(%dma_start3A_119 : memref<56x144xf32, #tpu.memory_space<vmem_shared>>) target_semaphore(%run_scoped3A_111 : memref<!tpu.dma_semaphore, #tpu.memory_space<semaphore_mem>>)
      %dma_wait3A_124 = arith.constant 0 : i32
      %dma_wait3A_125 = arith.constant 0 : i32
      %dma_wait3A_126 = tpu.memref_slice %arg9[%run_scoped3A_35, %dma_wait3A_124, %dma_wait3A_125] : memref<2x64x144xf32, #tpu.memory_space<vmem>> -> memref<1x56x144xf32, #tpu.memory_space<vmem>>
      %dma_wait3A_127 = tpu.memref_squeeze %dma_wait3A_126 : memref<1x56x144xf32, #tpu.memory_space<vmem>> -> memref<56x144xf32, #tpu.memory_space<vmem>>
      %dma_wait3A_128 = arith.constant 0 : i32
      %dma_wait3A_129 = tpu.memref_slice %arg10[%sub3A_34, %dma_wait3A_128] : memref<10112x144xf32, #tpu.memory_space<vmem_shared>> -> memref<56x144xf32, #tpu.memory_space<vmem_shared>>
      %dma_wait3A_130 = arith.constant 0 : i32
      %dma_wait3A_131 = tpu.memref_slice %arg10[%sub3A_34, %dma_wait3A_130] : memref<10112x144xf32, #tpu.memory_space<vmem_shared>> -> memref<56x144xf32, #tpu.memory_space<vmem_shared>>
      %dma_wait3A_132 = arith.constant 0 : i32
      %dma_wait3A_133 = arith.constant 0 : i32
      %dma_wait3A_134 = tpu.memref_slice %arg9[%run_scoped3A_35, %dma_wait3A_132, %dma_wait3A_133] : memref<2x64x144xf32, #tpu.memory_space<vmem>> -> memref<1x56x144xf32, #tpu.memory_space<vmem>>
      %dma_wait3A_135 = tpu.memref_squeeze %dma_wait3A_134 : memref<1x56x144xf32, #tpu.memory_space<vmem>> -> memref<56x144xf32, #tpu.memory_space<vmem>>
      tpu.wait_dma2 semaphore(%run_scoped3A_111 : memref<!tpu.dma_semaphore, #tpu.memory_space<semaphore_mem>>) src(%dma_wait3A_135 : memref<56x144xf32, #tpu.memory_space<vmem>>) dst(%dma_wait3A_131 : memref<56x144xf32, #tpu.memory_space<vmem_shared>>)
      tpu.yield
    }) : () -> ()
    "tpu.region"() ({
      %run_scoped3A_111 = tpu.sem_alloc : memref<!tpu.dma_semaphore, #tpu.memory_space<semaphore_mem>>
      %dma_start3A_112 = arith.constant 0 : i32
      %dma_start3A_113 = arith.constant 0 : i32
      %dma_start3A_114 = tpu.memref_slice %arg3[%arg0, %arg1, %dma_start3A_112, %dma_start3A_113] : memref<2x16x158x64xi32, #tpu.memory_space<hbm>> -> memref<1x1x158x64xi32, #tpu.memory_space<hbm>>
      %dma_start3A_115 = tpu.memref_squeeze %dma_start3A_114 : memref<1x1x158x64xi32, #tpu.memory_space<hbm>> -> memref<158x64xi32, #tpu.memory_space<hbm>>
      %dma_start3A_116 = arith.constant 0 : i32
      %dma_start3A_117 = arith.constant 0 : i32
      %dma_start3A_118 = tpu.memref_slice %arg3[%arg0, %arg1, %dma_start3A_116, %dma_start3A_117] : memref<2x16x158x64xi32, #tpu.memory_space<hbm>> -> memref<1x1x158x64xi32, #tpu.memory_space<hbm>>
      %dma_start3A_119 = tpu.memref_squeeze %dma_start3A_118 : memref<1x1x158x64xi32, #tpu.memory_space<hbm>> -> memref<158x64xi32, #tpu.memory_space<hbm>>
      tpu.enqueue_dma source(%dma_start3A_119 : memref<158x64xi32, #tpu.memory_space<hbm>>) target(%arg7 : memref<158x64xi32, #tpu.memory_space<vmem>>) target_semaphore(%run_scoped3A_111 : memref<!tpu.dma_semaphore, #tpu.memory_space<semaphore_mem>>)
      %dma_wait3A_120 = arith.constant 0 : i32
      %dma_wait3A_121 = arith.constant 0 : i32
      %dma_wait3A_122 = tpu.memref_slice %arg3[%arg0, %arg1, %dma_wait3A_120, %dma_wait3A_121] : memref<2x16x158x64xi32, #tpu.memory_space<hbm>> -> memref<1x1x158x64xi32, #tpu.memory_space<hbm>>
      %dma_wait3A_123 = tpu.memref_squeeze %dma_wait3A_122 : memref<1x1x158x64xi32, #tpu.memory_space<hbm>> -> memref<158x64xi32, #tpu.memory_space<hbm>>
      %dma_wait3A_124 = arith.constant 0 : i32
      %dma_wait3A_125 = arith.constant 0 : i32
      %dma_wait3A_126 = tpu.memref_slice %arg3[%arg0, %arg1, %dma_wait3A_124, %dma_wait3A_125] : memref<2x16x158x64xi32, #tpu.memory_space<hbm>> -> memref<1x1x158x64xi32, #tpu.memory_space<hbm>>
      %dma_wait3A_127 = tpu.memref_squeeze %dma_wait3A_126 : memref<1x1x158x64xi32, #tpu.memory_space<hbm>> -> memref<158x64xi32, #tpu.memory_space<hbm>>
      tpu.wait_dma2 semaphore(%run_scoped3A_111 : memref<!tpu.dma_semaphore, #tpu.memory_space<semaphore_mem>>) src(%dma_wait3A_127 : memref<158x64xi32, #tpu.memory_space<hbm>>) dst(%arg7 : memref<158x64xi32, #tpu.memory_space<vmem>>)
      tpu.yield
    }) : () -> ()
    "tpu.region"() ({
      %run_scoped3A_111 = tpu.sem_alloc : memref<!tpu.dma_semaphore, #tpu.memory_space<semaphore_mem>>
      %dma_start3A_112 = arith.constant 0 : i32
      %dma_start3A_113 = arith.constant 0 : i32
      %dma_start3A_114 = tpu.memref_slice %arg4[%arg0, %arg1, %dma_start3A_112, %dma_start3A_113] : memref<2x16x158x64xi32, #tpu.memory_space<hbm>> -> memref<1x1x158x64xi32, #tpu.memory_space<hbm>>
      %dma_start3A_115 = tpu.memref_squeeze %dma_start3A_114 : memref<1x1x158x64xi32, #tpu.memory_space<hbm>> -> memref<158x64xi32, #tpu.memory_space<hbm>>
      %dma_start3A_116 = arith.constant 0 : i32
      %dma_start3A_117 = arith.constant 0 : i32
      %dma_start3A_118 = tpu.memref_slice %arg4[%arg0, %arg1, %dma_start3A_116, %dma_start3A_117] : memref<2x16x158x64xi32, #tpu.memory_space<hbm>> -> memref<1x1x158x64xi32, #tpu.memory_space<hbm>>
      %dma_start3A_119 = tpu.memref_squeeze %dma_start3A_118 : memref<1x1x158x64xi32, #tpu.memory_space<hbm>> -> memref<158x64xi32, #tpu.memory_space<hbm>>
      tpu.enqueue_dma source(%dma_start3A_119 : memref<158x64xi32, #tpu.memory_space<hbm>>) target(%arg8 : memref<158x64xi32, #tpu.memory_space<vmem>>) target_semaphore(%run_scoped3A_111 : memref<!tpu.dma_semaphore, #tpu.memory_space<semaphore_mem>>)
      %dma_wait3A_120 = arith.constant 0 : i32
      %dma_wait3A_121 = arith.constant 0 : i32
      %dma_wait3A_122 = tpu.memref_slice %arg4[%arg0, %arg1, %dma_wait3A_120, %dma_wait3A_121] : memref<2x16x158x64xi32, #tpu.memory_space<hbm>> -> memref<1x1x158x64xi32, #tpu.memory_space<hbm>>
      %dma_wait3A_123 = tpu.memref_squeeze %dma_wait3A_122 : memref<1x1x158x64xi32, #tpu.memory_space<hbm>> -> memref<158x64xi32, #tpu.memory_space<hbm>>
      %dma_wait3A_124 = arith.constant 0 : i32
      %dma_wait3A_125 = arith.constant 0 : i32
      %dma_wait3A_126 = tpu.memref_slice %arg4[%arg0, %arg1, %dma_wait3A_124, %dma_wait3A_125] : memref<2x16x158x64xi32, #tpu.memory_space<hbm>> -> memref<1x1x158x64xi32, #tpu.memory_space<hbm>>
      %dma_wait3A_127 = tpu.memref_squeeze %dma_wait3A_126 : memref<1x1x158x64xi32, #tpu.memory_space<hbm>> -> memref<158x64xi32, #tpu.memory_space<hbm>>
      tpu.wait_dma2 semaphore(%run_scoped3A_111 : memref<!tpu.dma_semaphore, #tpu.memory_space<semaphore_mem>>) src(%dma_wait3A_127 : memref<158x64xi32, #tpu.memory_space<hbm>>) dst(%arg8 : memref<158x64xi32, #tpu.memory_space<vmem>>)
      tpu.yield
    }) : () -> ()
    %barrier3A = arith.constant 0 : index
    tpu.barrier barrier_id(%barrier3A)
    %dma_start3A = arith.constant 0 : i32
    %dma_start3A_36 = arith.constant 0 : i32
    %dma_start3A_37 = arith.constant 0 : i32
    %dma_start3A_38 = arith.constant 0 : i32
    %dma_start3A_39 = arith.constant 0 : i32
    %dma_start3A_40 = tpu.memref_slice %arg9[%dma_start3A_36, %dma_start3A_38, %dma_start3A_39] : memref<2x64x144xf32, #tpu.memory_space<vmem>> -> memref<1x64x144xf32, #tpu.memory_space<vmem>>
    %dma_start3A_41 = tpu.memref_squeeze %dma_start3A_40 : memref<1x64x144xf32, #tpu.memory_space<vmem>> -> memref<64x144xf32, #tpu.memory_space<vmem>>
    %dma_start3A_42 = arith.constant 0 : i32
    %dma_start3A_43 = tpu.memref_slice %arg7[%dma_start3A, %dma_start3A_42] : memref<158x64xi32, #tpu.memory_space<vmem>> -> memref<1x64xi32, #tpu.memory_space<vmem>>
    %dma_start3A_44 = tpu.memref_squeeze %dma_start3A_43 : memref<1x64xi32, #tpu.memory_space<vmem>> -> memref<64xi32, #tpu.memory_space<vmem>>
    %dma_start3A_45 = arith.constant 0 : i32
    %dma_start3A_46 = arith.constant 0 : i32
    %dma_start3A_47 = tpu.memref_slice %arg2[%dma_start3A_45, %dma_start3A_46] : memref<10000x144xf32, #tpu.memory_space<hbm>> -> memref<10000x144xf32, #tpu.memory_space<hbm>>
    %dma_start3A_48 = tpu.memref_slice %arg11[%dma_start3A_37] : memref<2x!tpu.dma_semaphore, #tpu.memory_space<semaphore_mem>> -> memref<1x!tpu.dma_semaphore, #tpu.memory_space<semaphore_mem>>
    %dma_start3A_49 = tpu.memref_squeeze %dma_start3A_48 : memref<1x!tpu.dma_semaphore, #tpu.memory_space<semaphore_mem>> -> memref<!tpu.dma_semaphore, #tpu.memory_space<semaphore_mem>>
    tpu.enqueue_indirect_dma source(%dma_start3A_47 : memref<10000x144xf32, #tpu.memory_space<hbm>>) target(%dma_start3A_41 : memref<64x144xf32, #tpu.memory_space<vmem>>) offsets(%dma_start3A_44 : memref<64xi32, #tpu.memory_space<vmem>>) semaphore(%dma_start3A_49 : memref<!tpu.dma_semaphore, #tpu.memory_space<semaphore_mem>>)
    %dma_start3A_50 = arith.constant 1 : i32
    %dma_start3A_51 = arith.constant 1 : i32
    %dma_start3A_52 = arith.constant 1 : i32
    %dma_start3A_53 = arith.constant 0 : i32
    %dma_start3A_54 = arith.constant 0 : i32
    %dma_start3A_55 = tpu.memref_slice %arg9[%dma_start3A_51, %dma_start3A_53, %dma_start3A_54] : memref<2x64x144xf32, #tpu.memory_space<vmem>> -> memref<1x64x144xf32, #tpu.memory_space<vmem>>
    %dma_start3A_56 = tpu.memref_squeeze %dma_start3A_55 : memref<1x64x144xf32, #tpu.memory_space<vmem>> -> memref<64x144xf32, #tpu.memory_space<vmem>>
    %dma_start3A_57 = arith.constant 0 : i32
    %dma_start3A_58 = tpu.memref_slice %arg7[%dma_start3A_50, %dma_start3A_57] : memref<158x64xi32, #tpu.memory_space<vmem>> -> memref<1x64xi32, #tpu.memory_space<vmem>>
    %dma_start3A_59 = tpu.memref_squeeze %dma_start3A_58 : memref<1x64xi32, #tpu.memory_space<vmem>> -> memref<64xi32, #tpu.memory_space<vmem>>
    %dma_start3A_60 = arith.constant 0 : i32
    %dma_start3A_61 = arith.constant 0 : i32
    %dma_start3A_62 = tpu.memref_slice %arg2[%dma_start3A_60, %dma_start3A_61] : memref<10000x144xf32, #tpu.memory_space<hbm>> -> memref<10000x144xf32, #tpu.memory_space<hbm>>
    %dma_start3A_63 = tpu.memref_slice %arg11[%dma_start3A_52] : memref<2x!tpu.dma_semaphore, #tpu.memory_space<semaphore_mem>> -> memref<1x!tpu.dma_semaphore, #tpu.memory_space<semaphore_mem>>
    %dma_start3A_64 = tpu.memref_squeeze %dma_start3A_63 : memref<1x!tpu.dma_semaphore, #tpu.memory_space<semaphore_mem>> -> memref<!tpu.dma_semaphore, #tpu.memory_space<semaphore_mem>>
    tpu.enqueue_indirect_dma source(%dma_start3A_62 : memref<10000x144xf32, #tpu.memory_space<hbm>>) target(%dma_start3A_56 : memref<64x144xf32, #tpu.memory_space<vmem>>) offsets(%dma_start3A_59 : memref<64xi32, #tpu.memory_space<vmem>>) semaphore(%dma_start3A_64 : memref<!tpu.dma_semaphore, #tpu.memory_space<semaphore_mem>>)
    %scan3A_65 = arith.constant 0 : i32
    %scan3A_66 = arith.constant 0 : i32
    %scan3A_67 = arith.constant 78 : i32
    %scan3A_68 = arith.addi %scan3A_66, %scan3A_67 : i32
    %scan3A_69 = arith.constant 1 : i32
    scf.for %scan3A_111 = %scan3A_66 to %scan3A_68 step %scan3A_69  : i32 {
      %mul3A_112 = arith.constant 2 : i32
      %mul3A_113 = arith.muli %scan3A_111, %mul3A_112 : i32
      %add3A_114 = arith.constant 0 : i32
      %add3A_115 = arith.addi %mul3A_113, %add3A_114 : i32
      %dma_wait3A_116 = arith.constant 0 : i32
      %dma_wait3A_117 = arith.constant 0 : i32
      %dma_wait3A_118 = arith.constant 0 : i32
      %dma_wait3A_119 = arith.constant 0 : i32
      %dma_wait3A_120 = tpu.memref_slice %arg9[%dma_wait3A_116, %dma_wait3A_118, %dma_wait3A_119] : memref<2x64x144xf32, #tpu.memory_space<vmem>> -> memref<1x64x144xf32, #tpu.memory_space<vmem>>
      %dma_wait3A_121 = tpu.memref_squeeze %dma_wait3A_120 : memref<1x64x144xf32, #tpu.memory_space<vmem>> -> memref<64x144xf32, #tpu.memory_space<vmem>>
      %dma_wait3A_122 = arith.constant 0 : i32
      %dma_wait3A_123 = arith.constant 0 : i32
      %dma_wait3A_124 = tpu.memref_slice %arg2[%dma_wait3A_122, %dma_wait3A_123] : memref<10000x144xf32, #tpu.memory_space<hbm>> -> memref<64x144xf32, #tpu.memory_space<hbm>>
      %dma_wait3A_125 = tpu.memref_slice %arg11[%dma_wait3A_117] : memref<2x!tpu.dma_semaphore, #tpu.memory_space<semaphore_mem>> -> memref<1x!tpu.dma_semaphore, #tpu.memory_space<semaphore_mem>>
      %dma_wait3A_126 = tpu.memref_squeeze %dma_wait3A_125 : memref<1x!tpu.dma_semaphore, #tpu.memory_space<semaphore_mem>> -> memref<!tpu.dma_semaphore, #tpu.memory_space<semaphore_mem>>
      %dma_wait3A_127 = arith.constant 0 : i32
      %dma_wait3A_128 = arith.constant 0 : i32
      %dma_wait3A_129 = tpu.memref_slice %arg9[%dma_wait3A_116, %dma_wait3A_127, %dma_wait3A_128] : memref<2x64x144xf32, #tpu.memory_space<vmem>> -> memref<1x64x144xf32, #tpu.memory_space<vmem>>
      %dma_wait3A_130 = tpu.memref_squeeze %dma_wait3A_129 : memref<1x64x144xf32, #tpu.memory_space<vmem>> -> memref<64x144xf32, #tpu.memory_space<vmem>>
      %dma_wait3A_131 = arith.constant 0 : i32
      %dma_wait3A_132 = arith.constant 0 : i32
      %dma_wait3A_133 = tpu.memref_slice %arg2[%dma_wait3A_131, %dma_wait3A_132] : memref<10000x144xf32, #tpu.memory_space<hbm>> -> memref<64x144xf32, #tpu.memory_space<hbm>>
      tpu.wait_dma2 semaphore(%dma_wait3A_126 : memref<!tpu.dma_semaphore, #tpu.memory_space<semaphore_mem>>) src(%dma_wait3A_133 : memref<64x144xf32, #tpu.memory_space<hbm>>) dst(%dma_wait3A_130 : memref<64x144xf32, #tpu.memory_space<vmem>>)
      %add3A_134 = arith.constant 0 : i32
      %add3A_135 = arith.addi %mul3A_113, %add3A_134 : i32
      %run_scoped3A_136 = arith.constant 0 : i32
      "tpu.region"() ({
        %run_scoped3A_196 = tpu.sem_alloc : memref<!tpu.dma_semaphore, #tpu.memory_space<semaphore_mem>>
        %dma_start3A_197 = arith.constant 0 : i32
        %dma_start3A_198 = arith.constant 0 : i32
        %dma_start3A_199 = tpu.memref_slice %arg9[%run_scoped3A_136, %dma_start3A_197, %dma_start3A_198] : memref<2x64x144xf32, #tpu.memory_space<vmem>> -> memref<1x64x144xf32, #tpu.memory_space<vmem>>
        %dma_start3A_200 = tpu.memref_squeeze %dma_start3A_199 : memref<1x64x144xf32, #tpu.memory_space<vmem>> -> memref<64x144xf32, #tpu.memory_space<vmem>>
        %dma_start3A_201 = arith.constant 0 : i32
        %dma_start3A_202 = tpu.memref_slice %arg8[%add3A_135, %dma_start3A_201] : memref<158x64xi32, #tpu.memory_space<vmem>> -> memref<1x64xi32, #tpu.memory_space<vmem>>
        %dma_start3A_203 = tpu.memref_squeeze %dma_start3A_202 : memref<1x64xi32, #tpu.memory_space<vmem>> -> memref<64xi32, #tpu.memory_space<vmem>>
        %dma_start3A_204 = arith.constant 0 : i32
        %dma_start3A_205 = arith.constant 0 : i32
        %dma_start3A_206 = tpu.memref_slice %arg10[%dma_start3A_204, %dma_start3A_205] : memref<10112x144xf32, #tpu.memory_space<vmem_shared>> -> memref<10112x144xf32, #tpu.memory_space<vmem_shared>>
        tpu.enqueue_indirect_dma source(%dma_start3A_200 : memref<64x144xf32, #tpu.memory_space<vmem>>) target(%dma_start3A_206 : memref<10112x144xf32, #tpu.memory_space<vmem_shared>>) offsets(%dma_start3A_203 : memref<64xi32, #tpu.memory_space<vmem>>) semaphore(%run_scoped3A_196 : memref<!tpu.dma_semaphore, #tpu.memory_space<semaphore_mem>>) {add = true}
        %dma_wait3A_207 = arith.constant 0 : i32
        %dma_wait3A_208 = arith.constant 0 : i32
        %dma_wait3A_209 = tpu.memref_slice %arg9[%run_scoped3A_136, %dma_wait3A_207, %dma_wait3A_208] : memref<2x64x144xf32, #tpu.memory_space<vmem>> -> memref<1x64x144xf32, #tpu.memory_space<vmem>>
        %dma_wait3A_210 = tpu.memref_squeeze %dma_wait3A_209 : memref<1x64x144xf32, #tpu.memory_space<vmem>> -> memref<64x144xf32, #tpu.memory_space<vmem>>
        %dma_wait3A_211 = arith.constant 0 : i32
        %dma_wait3A_212 = tpu.memref_slice %arg8[%add3A_135, %dma_wait3A_211] : memref<158x64xi32, #tpu.memory_space<vmem>> -> memref<1x64xi32, #tpu.memory_space<vmem>>
        %dma_wait3A_213 = tpu.memref_squeeze %dma_wait3A_212 : memref<1x64xi32, #tpu.memory_space<vmem>> -> memref<64xi32, #tpu.memory_space<vmem>>
        %dma_wait3A_214 = arith.constant 0 : i32
        %dma_wait3A_215 = arith.constant 0 : i32
        %dma_wait3A_216 = tpu.memref_slice %arg10[%dma_wait3A_214, %dma_wait3A_215] : memref<10112x144xf32, #tpu.memory_space<vmem_shared>> -> memref<10112x144xf32, #tpu.memory_space<vmem_shared>>
        tpu.wait_indirect_dma semaphore(%run_scoped3A_196 : memref<!tpu.dma_semaphore, #tpu.memory_space<semaphore_mem>>) src(%dma_wait3A_210 : memref<64x144xf32, #tpu.memory_space<vmem>>) dst(%dma_wait3A_216 : memref<10112x144xf32, #tpu.memory_space<vmem_shared>>)
        tpu.yield
      }) : () -> ()
      %add3A_137 = arith.constant 2 : i32
      %add3A_138 = arith.addi %mul3A_113, %add3A_137 : i32
      %add3A_139 = arith.constant 0 : i32
      %add3A_140 = arith.addi %add3A_138, %add3A_139 : i32
      %dma_start3A_141 = arith.constant 0 : i32
      %dma_start3A_142 = arith.constant 0 : i32
      %dma_start3A_143 = arith.constant 0 : i32
      %dma_start3A_144 = arith.constant 0 : i32
      %dma_start3A_145 = tpu.memref_slice %arg9[%dma_start3A_141, %dma_start3A_143, %dma_start3A_144] : memref<2x64x144xf32, #tpu.memory_space<vmem>> -> memref<1x64x144xf32, #tpu.memory_space<vmem>>
      %dma_start3A_146 = tpu.memref_squeeze %dma_start3A_145 : memref<1x64x144xf32, #tpu.memory_space<vmem>> -> memref<64x144xf32, #tpu.memory_space<vmem>>
      %dma_start3A_147 = arith.constant 0 : i32
      %dma_start3A_148 = tpu.memref_slice %arg7[%add3A_140, %dma_start3A_147] : memref<158x64xi32, #tpu.memory_space<vmem>> -> memref<1x64xi32, #tpu.memory_space<vmem>>
      %dma_start3A_149 = tpu.memref_squeeze %dma_start3A_148 : memref<1x64xi32, #tpu.memory_space<vmem>> -> memref<64xi32, #tpu.memory_space<vmem>>
      %dma_start3A_150 = arith.constant 0 : i32
      %dma_start3A_151 = arith.constant 0 : i32
      %dma_start3A_152 = tpu.memref_slice %arg2[%dma_start3A_150, %dma_start3A_151] : memref<10000x144xf32, #tpu.memory_space<hbm>> -> memref<10000x144xf32, #tpu.memory_space<hbm>>
      %dma_start3A_153 = tpu.memref_slice %arg11[%dma_start3A_142] : memref<2x!tpu.dma_semaphore, #tpu.memory_space<semaphore_mem>> -> memref<1x!tpu.dma_semaphore, #tpu.memory_space<semaphore_mem>>
      %dma_start3A_154 = tpu.memref_squeeze %dma_start3A_153 : memref<1x!tpu.dma_semaphore, #tpu.memory_space<semaphore_mem>> -> memref<!tpu.dma_semaphore, #tpu.memory_space<semaphore_mem>>
      tpu.enqueue_indirect_dma source(%dma_start3A_152 : memref<10000x144xf32, #tpu.memory_space<hbm>>) target(%dma_start3A_146 : memref<64x144xf32, #tpu.memory_space<vmem>>) offsets(%dma_start3A_149 : memref<64xi32, #tpu.memory_space<vmem>>) semaphore(%dma_start3A_154 : memref<!tpu.dma_semaphore, #tpu.memory_space<semaphore_mem>>)
      %add3A_155 = arith.constant 1 : i32
      %add3A_156 = arith.addi %mul3A_113, %add3A_155 : i32
      %dma_wait3A_157 = arith.constant 1 : i32
      %dma_wait3A_158 = arith.constant 1 : i32
      %dma_wait3A_159 = arith.constant 0 : i32
      %dma_wait3A_160 = arith.constant 0 : i32
      %dma_wait3A_161 = tpu.memref_slice %arg9[%dma_wait3A_157, %dma_wait3A_159, %dma_wait3A_160] : memref<2x64x144xf32, #tpu.memory_space<vmem>> -> memref<1x64x144xf32, #tpu.memory_space<vmem>>
      %dma_wait3A_162 = tpu.memref_squeeze %dma_wait3A_161 : memref<1x64x144xf32, #tpu.memory_space<vmem>> -> memref<64x144xf32, #tpu.memory_space<vmem>>
      %dma_wait3A_163 = arith.constant 0 : i32
      %dma_wait3A_164 = arith.constant 0 : i32
      %dma_wait3A_165 = tpu.memref_slice %arg2[%dma_wait3A_163, %dma_wait3A_164] : memref<10000x144xf32, #tpu.memory_space<hbm>> -> memref<64x144xf32, #tpu.memory_space<hbm>>
      %dma_wait3A_166 = tpu.memref_slice %arg11[%dma_wait3A_158] : memref<2x!tpu.dma_semaphore, #tpu.memory_space<semaphore_mem>> -> memref<1x!tpu.dma_semaphore, #tpu.memory_space<semaphore_mem>>
      %dma_wait3A_167 = tpu.memref_squeeze %dma_wait3A_166 : memref<1x!tpu.dma_semaphore, #tpu.memory_space<semaphore_mem>> -> memref<!tpu.dma_semaphore, #tpu.memory_space<semaphore_mem>>
      %dma_wait3A_168 = arith.constant 0 : i32
      %dma_wait3A_169 = arith.constant 0 : i32
      %dma_wait3A_170 = tpu.memref_slice %arg9[%dma_wait3A_157, %dma_wait3A_168, %dma_wait3A_169] : memref<2x64x144xf32, #tpu.memory_space<vmem>> -> memref<1x64x144xf32, #tpu.memory_space<vmem>>
      %dma_wait3A_171 = tpu.memref_squeeze %dma_wait3A_170 : memref<1x64x144xf32, #tpu.memory_space<vmem>> -> memref<64x144xf32, #tpu.memory_space<vmem>>
      %dma_wait3A_172 = arith.constant 0 : i32
      %dma_wait3A_173 = arith.constant 0 : i32
      %dma_wait3A_174 = tpu.memref_slice %arg2[%dma_wait3A_172, %dma_wait3A_173] : memref<10000x144xf32, #tpu.memory_space<hbm>> -> memref<64x144xf32, #tpu.memory_space<hbm>>
      tpu.wait_dma2 semaphore(%dma_wait3A_167 : memref<!tpu.dma_semaphore, #tpu.memory_space<semaphore_mem>>) src(%dma_wait3A_174 : memref<64x144xf32, #tpu.memory_space<hbm>>) dst(%dma_wait3A_171 : memref<64x144xf32, #tpu.memory_space<vmem>>)
      %add3A_175 = arith.constant 1 : i32
      %add3A_176 = arith.addi %mul3A_113, %add3A_175 : i32
      %run_scoped3A_177 = arith.constant 1 : i32
      "tpu.region"() ({
        %run_scoped3A_196 = tpu.sem_alloc : memref<!tpu.dma_semaphore, #tpu.memory_space<semaphore_mem>>
        %dma_start3A_197 = arith.constant 0 : i32
        %dma_start3A_198 = arith.constant 0 : i32
        %dma_start3A_199 = tpu.memref_slice %arg9[%run_scoped3A_177, %dma_start3A_197, %dma_start3A_198] : memref<2x64x144xf32, #tpu.memory_space<vmem>> -> memref<1x64x144xf32, #tpu.memory_space<vmem>>
        %dma_start3A_200 = tpu.memref_squeeze %dma_start3A_199 : memref<1x64x144xf32, #tpu.memory_space<vmem>> -> memref<64x144xf32, #tpu.memory_space<vmem>>
        %dma_start3A_201 = arith.constant 0 : i32
        %dma_start3A_202 = tpu.memref_slice %arg8[%add3A_176, %dma_start3A_201] : memref<158x64xi32, #tpu.memory_space<vmem>> -> memref<1x64xi32, #tpu.memory_space<vmem>>
        %dma_start3A_203 = tpu.memref_squeeze %dma_start3A_202 : memref<1x64xi32, #tpu.memory_space<vmem>> -> memref<64xi32, #tpu.memory_space<vmem>>
        %dma_start3A_204 = arith.constant 0 : i32
        %dma_start3A_205 = arith.constant 0 : i32
        %dma_start3A_206 = tpu.memref_slice %arg10[%dma_start3A_204, %dma_start3A_205] : memref<10112x144xf32, #tpu.memory_space<vmem_shared>> -> memref<10112x144xf32, #tpu.memory_space<vmem_shared>>
        tpu.enqueue_indirect_dma source(%dma_start3A_200 : memref<64x144xf32, #tpu.memory_space<vmem>>) target(%dma_start3A_206 : memref<10112x144xf32, #tpu.memory_space<vmem_shared>>) offsets(%dma_start3A_203 : memref<64xi32, #tpu.memory_space<vmem>>) semaphore(%run_scoped3A_196 : memref<!tpu.dma_semaphore, #tpu.memory_space<semaphore_mem>>) {add = true}
        %dma_wait3A_207 = arith.constant 0 : i32
        %dma_wait3A_208 = arith.constant 0 : i32
        %dma_wait3A_209 = tpu.memref_slice %arg9[%run_scoped3A_177, %dma_wait3A_207, %dma_wait3A_208] : memref<2x64x144xf32, #tpu.memory_space<vmem>> -> memref<1x64x144xf32, #tpu.memory_space<vmem>>
        %dma_wait3A_210 = tpu.memref_squeeze %dma_wait3A_209 : memref<1x64x144xf32, #tpu.memory_space<vmem>> -> memref<64x144xf32, #tpu.memory_space<vmem>>
        %dma_wait3A_211 = arith.constant 0 : i32
        %dma_wait3A_212 = tpu.memref_slice %arg8[%add3A_176, %dma_wait3A_211] : memref<158x64xi32, #tpu.memory_space<vmem>> -> memref<1x64xi32, #tpu.memory_space<vmem>>
        %dma_wait3A_213 = tpu.memref_squeeze %dma_wait3A_212 : memref<1x64xi32, #tpu.memory_space<vmem>> -> memref<64xi32, #tpu.memory_space<vmem>>
        %dma_wait3A_214 = arith.constant 0 : i32
        %dma_wait3A_215 = arith.constant 0 : i32
        %dma_wait3A_216 = tpu.memref_slice %arg10[%dma_wait3A_214, %dma_wait3A_215] : memref<10112x144xf32, #tpu.memory_space<vmem_shared>> -> memref<10112x144xf32, #tpu.memory_space<vmem_shared>>
        tpu.wait_indirect_dma semaphore(%run_scoped3A_196 : memref<!tpu.dma_semaphore, #tpu.memory_space<semaphore_mem>>) src(%dma_wait3A_210 : memref<64x144xf32, #tpu.memory_space<vmem>>) dst(%dma_wait3A_216 : memref<10112x144xf32, #tpu.memory_space<vmem_shared>>)
        tpu.yield
      }) : () -> ()
      %add3A_178 = arith.constant 2 : i32
      %add3A_179 = arith.addi %mul3A_113, %add3A_178 : i32
      %add3A_180 = arith.constant 1 : i32
      %add3A_181 = arith.addi %add3A_179, %add3A_180 : i32
      %dma_start3A_182 = arith.constant 1 : i32
      %dma_start3A_183 = arith.constant 1 : i32
      %dma_start3A_184 = arith.constant 0 : i32
      %dma_start3A_185 = arith.constant 0 : i32
      %dma_start3A_186 = tpu.memref_slice %arg9[%dma_start3A_182, %dma_start3A_184, %dma_start3A_185] : memref<2x64x144xf32, #tpu.memory_space<vmem>> -> memref<1x64x144xf32, #tpu.memory_space<vmem>>
      %dma_start3A_187 = tpu.memref_squeeze %dma_start3A_186 : memref<1x64x144xf32, #tpu.memory_space<vmem>> -> memref<64x144xf32, #tpu.memory_space<vmem>>
      %dma_start3A_188 = arith.constant 0 : i32
      %dma_start3A_189 = tpu.memref_slice %arg7[%add3A_181, %dma_start3A_188] : memref<158x64xi32, #tpu.memory_space<vmem>> -> memref<1x64xi32, #tpu.memory_space<vmem>>
      %dma_start3A_190 = tpu.memref_squeeze %dma_start3A_189 : memref<1x64xi32, #tpu.memory_space<vmem>> -> memref<64xi32, #tpu.memory_space<vmem>>
      %dma_start3A_191 = arith.constant 0 : i32
      %dma_start3A_192 = arith.constant 0 : i32
      %dma_start3A_193 = tpu.memref_slice %arg2[%dma_start3A_191, %dma_start3A_192] : memref<10000x144xf32, #tpu.memory_space<hbm>> -> memref<10000x144xf32, #tpu.memory_space<hbm>>
      %dma_start3A_194 = tpu.memref_slice %arg11[%dma_start3A_183] : memref<2x!tpu.dma_semaphore, #tpu.memory_space<semaphore_mem>> -> memref<1x!tpu.dma_semaphore, #tpu.memory_space<semaphore_mem>>
      %dma_start3A_195 = tpu.memref_squeeze %dma_start3A_194 : memref<1x!tpu.dma_semaphore, #tpu.memory_space<semaphore_mem>> -> memref<!tpu.dma_semaphore, #tpu.memory_space<semaphore_mem>>
      tpu.enqueue_indirect_dma source(%dma_start3A_193 : memref<10000x144xf32, #tpu.memory_space<hbm>>) target(%dma_start3A_187 : memref<64x144xf32, #tpu.memory_space<vmem>>) offsets(%dma_start3A_190 : memref<64xi32, #tpu.memory_space<vmem>>) semaphore(%dma_start3A_195 : memref<!tpu.dma_semaphore, #tpu.memory_space<semaphore_mem>>)
    }
    %scan3A_70 = arith.constant 78 : i32
    %dma_wait3A = arith.constant 0 : i32
    %dma_wait3A_71 = arith.constant 0 : i32
    %dma_wait3A_72 = arith.constant 0 : i32
    %dma_wait3A_73 = arith.constant 0 : i32
    %dma_wait3A_74 = tpu.memref_slice %arg9[%dma_wait3A, %dma_wait3A_72, %dma_wait3A_73] : memref<2x64x144xf32, #tpu.memory_space<vmem>> -> memref<1x64x144xf32, #tpu.memory_space<vmem>>
    %dma_wait3A_75 = tpu.memref_squeeze %dma_wait3A_74 : memref<1x64x144xf32, #tpu.memory_space<vmem>> -> memref<64x144xf32, #tpu.memory_space<vmem>>
    %dma_wait3A_76 = arith.constant 0 : i32
    %dma_wait3A_77 = arith.constant 0 : i32
    %dma_wait3A_78 = tpu.memref_slice %arg2[%dma_wait3A_76, %dma_wait3A_77] : memref<10000x144xf32, #tpu.memory_space<hbm>> -> memref<64x144xf32, #tpu.memory_space<hbm>>
    %dma_wait3A_79 = tpu.memref_slice %arg11[%dma_wait3A_71] : memref<2x!tpu.dma_semaphore, #tpu.memory_space<semaphore_mem>> -> memref<1x!tpu.dma_semaphore, #tpu.memory_space<semaphore_mem>>
    %dma_wait3A_80 = tpu.memref_squeeze %dma_wait3A_79 : memref<1x!tpu.dma_semaphore, #tpu.memory_space<semaphore_mem>> -> memref<!tpu.dma_semaphore, #tpu.memory_space<semaphore_mem>>
    %dma_wait3A_81 = arith.constant 0 : i32
    %dma_wait3A_82 = arith.constant 0 : i32
    %dma_wait3A_83 = tpu.memref_slice %arg9[%dma_wait3A, %dma_wait3A_81, %dma_wait3A_82] : memref<2x64x144xf32, #tpu.memory_space<vmem>> -> memref<1x64x144xf32, #tpu.memory_space<vmem>>
    %dma_wait3A_84 = tpu.memref_squeeze %dma_wait3A_83 : memref<1x64x144xf32, #tpu.memory_space<vmem>> -> memref<64x144xf32, #tpu.memory_space<vmem>>
    %dma_wait3A_85 = arith.constant 0 : i32
    %dma_wait3A_86 = arith.constant 0 : i32
    %dma_wait3A_87 = tpu.memref_slice %arg2[%dma_wait3A_85, %dma_wait3A_86] : memref<10000x144xf32, #tpu.memory_space<hbm>> -> memref<64x144xf32, #tpu.memory_space<hbm>>
    tpu.wait_dma2 semaphore(%dma_wait3A_80 : memref<!tpu.dma_semaphore, #tpu.memory_space<semaphore_mem>>) src(%dma_wait3A_87 : memref<64x144xf32, #tpu.memory_space<hbm>>) dst(%dma_wait3A_84 : memref<64x144xf32, #tpu.memory_space<vmem>>)
    %run_scoped3A_88 = arith.constant 0 : i32
    %run_scoped3A_89 = arith.constant 156 : i32
    "tpu.region"() ({
      %run_scoped3A_111 = tpu.sem_alloc : memref<!tpu.dma_semaphore, #tpu.memory_space<semaphore_mem>>
      %dma_start3A_112 = arith.constant 0 : i32
      %dma_start3A_113 = arith.constant 0 : i32
      %dma_start3A_114 = tpu.memref_slice %arg9[%run_scoped3A_88, %dma_start3A_112, %dma_start3A_113] : memref<2x64x144xf32, #tpu.memory_space<vmem>> -> memref<1x64x144xf32, #tpu.memory_space<vmem>>
      %dma_start3A_115 = tpu.memref_squeeze %dma_start3A_114 : memref<1x64x144xf32, #tpu.memory_space<vmem>> -> memref<64x144xf32, #tpu.memory_space<vmem>>
      %dma_start3A_116 = arith.constant 0 : i32
      %dma_start3A_117 = tpu.memref_slice %arg8[%run_scoped3A_89, %dma_start3A_116] : memref<158x64xi32, #tpu.memory_space<vmem>> -> memref<1x64xi32, #tpu.memory_space<vmem>>
      %dma_start3A_118 = tpu.memref_squeeze %dma_start3A_117 : memref<1x64xi32, #tpu.memory_space<vmem>> -> memref<64xi32, #tpu.memory_space<vmem>>
      %dma_start3A_119 = arith.constant 0 : i32
      %dma_start3A_120 = arith.constant 0 : i32
      %dma_start3A_121 = tpu.memref_slice %arg10[%dma_start3A_119, %dma_start3A_120] : memref<10112x144xf32, #tpu.memory_space<vmem_shared>> -> memref<10112x144xf32, #tpu.memory_space<vmem_shared>>
      tpu.enqueue_indirect_dma source(%dma_start3A_115 : memref<64x144xf32, #tpu.memory_space<vmem>>) target(%dma_start3A_121 : memref<10112x144xf32, #tpu.memory_space<vmem_shared>>) offsets(%dma_start3A_118 : memref<64xi32, #tpu.memory_space<vmem>>) semaphore(%run_scoped3A_111 : memref<!tpu.dma_semaphore, #tpu.memory_space<semaphore_mem>>) {add = true}
      %dma_wait3A_122 = arith.constant 0 : i32
      %dma_wait3A_123 = arith.constant 0 : i32
      %dma_wait3A_124 = tpu.memref_slice %arg9[%run_scoped3A_88, %dma_wait3A_122, %dma_wait3A_123] : memref<2x64x144xf32, #tpu.memory_space<vmem>> -> memref<1x64x144xf32, #tpu.memory_space<vmem>>
      %dma_wait3A_125 = tpu.memref_squeeze %dma_wait3A_124 : memref<1x64x144xf32, #tpu.memory_space<vmem>> -> memref<64x144xf32, #tpu.memory_space<vmem>>
      %dma_wait3A_126 = arith.constant 0 : i32
      %dma_wait3A_127 = tpu.memref_slice %arg8[%run_scoped3A_89, %dma_wait3A_126] : memref<158x64xi32, #tpu.memory_space<vmem>> -> memref<1x64xi32, #tpu.memory_space<vmem>>
      %dma_wait3A_128 = tpu.memref_squeeze %dma_wait3A_127 : memref<1x64xi32, #tpu.memory_space<vmem>> -> memref<64xi32, #tpu.memory_space<vmem>>
      %dma_wait3A_129 = arith.constant 0 : i32
      %dma_wait3A_130 = arith.constant 0 : i32
      %dma_wait3A_131 = tpu.memref_slice %arg10[%dma_wait3A_129, %dma_wait3A_130] : memref<10112x144xf32, #tpu.memory_space<vmem_shared>> -> memref<10112x144xf32, #tpu.memory_space<vmem_shared>>
      tpu.wait_indirect_dma semaphore(%run_scoped3A_111 : memref<!tpu.dma_semaphore, #tpu.memory_space<semaphore_mem>>) src(%dma_wait3A_125 : memref<64x144xf32, #tpu.memory_space<vmem>>) dst(%dma_wait3A_131 : memref<10112x144xf32, #tpu.memory_space<vmem_shared>>)
      tpu.yield
    }) : () -> ()
    %dma_wait3A_90 = arith.constant 1 : i32
    %dma_wait3A_91 = arith.constant 1 : i32
    %dma_wait3A_92 = arith.constant 0 : i32
    %dma_wait3A_93 = arith.constant 0 : i32
    %dma_wait3A_94 = tpu.memref_slice %arg9[%dma_wait3A_90, %dma_wait3A_92, %dma_wait3A_93] : memref<2x64x144xf32, #tpu.memory_space<vmem>> -> memref<1x64x144xf32, #tpu.memory_space<vmem>>
    %dma_wait3A_95 = tpu.memref_squeeze %dma_wait3A_94 : memref<1x64x144xf32, #tpu.memory_space<vmem>> -> memref<64x144xf32, #tpu.memory_space<vmem>>
    %dma_wait3A_96 = arith.constant 0 : i32
    %dma_wait3A_97 = arith.constant 0 : i32
    %dma_wait3A_98 = tpu.memref_slice %arg2[%dma_wait3A_96, %dma_wait3A_97] : memref<10000x144xf32, #tpu.memory_space<hbm>> -> memref<64x144xf32, #tpu.memory_space<hbm>>
    %dma_wait3A_99 = tpu.memref_slice %arg11[%dma_wait3A_91] : memref<2x!tpu.dma_semaphore, #tpu.memory_space<semaphore_mem>> -> memref<1x!tpu.dma_semaphore, #tpu.memory_space<semaphore_mem>>
    %dma_wait3A_100 = tpu.memref_squeeze %dma_wait3A_99 : memref<1x!tpu.dma_semaphore, #tpu.memory_space<semaphore_mem>> -> memref<!tpu.dma_semaphore, #tpu.memory_space<semaphore_mem>>
    %dma_wait3A_101 = arith.constant 0 : i32
    %dma_wait3A_102 = arith.constant 0 : i32
    %dma_wait3A_103 = tpu.memref_slice %arg9[%dma_wait3A_90, %dma_wait3A_101, %dma_wait3A_102] : memref<2x64x144xf32, #tpu.memory_space<vmem>> -> memref<1x64x144xf32, #tpu.memory_space<vmem>>
    %dma_wait3A_104 = tpu.memref_squeeze %dma_wait3A_103 : memref<1x64x144xf32, #tpu.memory_space<vmem>> -> memref<64x144xf32, #tpu.memory_space<vmem>>
    %dma_wait3A_105 = arith.constant 0 : i32
    %dma_wait3A_106 = arith.constant 0 : i32
    %dma_wait3A_107 = tpu.memref_slice %arg2[%dma_wait3A_105, %dma_wait3A_106] : memref<10000x144xf32, #tpu.memory_space<hbm>> -> memref<64x144xf32, #tpu.memory_space<hbm>>
    tpu.wait_dma2 semaphore(%dma_wait3A_100 : memref<!tpu.dma_semaphore, #tpu.memory_space<semaphore_mem>>) src(%dma_wait3A_107 : memref<64x144xf32, #tpu.memory_space<hbm>>) dst(%dma_wait3A_104 : memref<64x144xf32, #tpu.memory_space<vmem>>)
    %run_scoped3A_108 = arith.constant 1 : i32
    %run_scoped3A_109 = arith.constant 157 : i32
    "tpu.region"() ({
      %run_scoped3A_111 = tpu.sem_alloc : memref<!tpu.dma_semaphore, #tpu.memory_space<semaphore_mem>>
      %dma_start3A_112 = arith.constant 0 : i32
      %dma_start3A_113 = arith.constant 0 : i32
      %dma_start3A_114 = tpu.memref_slice %arg9[%run_scoped3A_108, %dma_start3A_112, %dma_start3A_113] : memref<2x64x144xf32, #tpu.memory_space<vmem>> -> memref<1x64x144xf32, #tpu.memory_space<vmem>>
      %dma_start3A_115 = tpu.memref_squeeze %dma_start3A_114 : memref<1x64x144xf32, #tpu.memory_space<vmem>> -> memref<64x144xf32, #tpu.memory_space<vmem>>
      %dma_start3A_116 = arith.constant 0 : i32
      %dma_start3A_117 = tpu.memref_slice %arg8[%run_scoped3A_109, %dma_start3A_116] : memref<158x64xi32, #tpu.memory_space<vmem>> -> memref<1x64xi32, #tpu.memory_space<vmem>>
      %dma_start3A_118 = tpu.memref_squeeze %dma_start3A_117 : memref<1x64xi32, #tpu.memory_space<vmem>> -> memref<64xi32, #tpu.memory_space<vmem>>
      %dma_start3A_119 = arith.constant 0 : i32
      %dma_start3A_120 = arith.constant 0 : i32
      %dma_start3A_121 = tpu.memref_slice %arg10[%dma_start3A_119, %dma_start3A_120] : memref<10112x144xf32, #tpu.memory_space<vmem_shared>> -> memref<10112x144xf32, #tpu.memory_space<vmem_shared>>
      tpu.enqueue_indirect_dma source(%dma_start3A_115 : memref<64x144xf32, #tpu.memory_space<vmem>>) target(%dma_start3A_121 : memref<10112x144xf32, #tpu.memory_space<vmem_shared>>) offsets(%dma_start3A_118 : memref<64xi32, #tpu.memory_space<vmem>>) semaphore(%run_scoped3A_111 : memref<!tpu.dma_semaphore, #tpu.memory_space<semaphore_mem>>) {add = true}
      %dma_wait3A_122 = arith.constant 0 : i32
      %dma_wait3A_123 = arith.constant 0 : i32
      %dma_wait3A_124 = tpu.memref_slice %arg9[%run_scoped3A_108, %dma_wait3A_122, %dma_wait3A_123] : memref<2x64x144xf32, #tpu.memory_space<vmem>> -> memref<1x64x144xf32, #tpu.memory_space<vmem>>
      %dma_wait3A_125 = tpu.memref_squeeze %dma_wait3A_124 : memref<1x64x144xf32, #tpu.memory_space<vmem>> -> memref<64x144xf32, #tpu.memory_space<vmem>>
      %dma_wait3A_126 = arith.constant 0 : i32
      %dma_wait3A_127 = tpu.memref_slice %arg8[%run_scoped3A_109, %dma_wait3A_126] : memref<158x64xi32, #tpu.memory_space<vmem>> -> memref<1x64xi32, #tpu.memory_space<vmem>>
      %dma_wait3A_128 = tpu.memref_squeeze %dma_wait3A_127 : memref<1x64xi32, #tpu.memory_space<vmem>> -> memref<64xi32, #tpu.memory_space<vmem>>
      %dma_wait3A_129 = arith.constant 0 : i32
      %dma_wait3A_130 = arith.constant 0 : i32
      %dma_wait3A_131 = tpu.memref_slice %arg10[%dma_wait3A_129, %dma_wait3A_130] : memref<10112x144xf32, #tpu.memory_space<vmem_shared>> -> memref<10112x144xf32, #tpu.memory_space<vmem_shared>>
      tpu.wait_indirect_dma semaphore(%run_scoped3A_111 : memref<!tpu.dma_semaphore, #tpu.memory_space<semaphore_mem>>) src(%dma_wait3A_125 : memref<64x144xf32, #tpu.memory_space<vmem>>) dst(%dma_wait3A_131 : memref<10112x144xf32, #tpu.memory_space<vmem_shared>>)
      tpu.yield
    }) : () -> ()
    %barrier3A_110 = arith.constant 0 : index
    tpu.barrier barrier_id(%barrier3A_110)
    "tpu.region"() ({
      %run_scoped3A_111 = tpu.sem_alloc : memref<!tpu.dma_semaphore, #tpu.memory_space<semaphore_mem>>
      %dma_start3A_112 = arith.constant 0 : i32
      %dma_start3A_113 = tpu.memref_slice %arg5[%arg0, %mul3A_0, %dma_start3A_112] : memref<2x10112x128xf32, #tpu.memory_space<hbm>> -> memref<1x632x128xf32, #tpu.memory_space<hbm>>
      %dma_start3A_114 = tpu.memref_squeeze %dma_start3A_113 : memref<1x632x128xf32, #tpu.memory_space<hbm>> -> memref<632x128xf32, #tpu.memory_space<hbm>>
      %dma_start3A_115 = arith.constant 0 : i32
      %dma_start3A_116 = tpu.memref_slice %arg10[%mul3A_0, %dma_start3A_115] : memref<10112x144xf32, #tpu.memory_space<vmem_shared>> -> memref<632x128xf32, #tpu.memory_space<vmem_shared>>
      tpu.enqueue_dma source(%dma_start3A_116 : memref<632x128xf32, #tpu.memory_space<vmem_shared>>) target(%dma_start3A_114 : memref<632x128xf32, #tpu.memory_space<hbm>>) target_semaphore(%run_scoped3A_111 : memref<!tpu.dma_semaphore, #tpu.memory_space<semaphore_mem>>)
      %dma_wait3A_117 = arith.constant 0 : i32
      %dma_wait3A_118 = tpu.memref_slice %arg5[%arg0, %mul3A_0, %dma_wait3A_117] : memref<2x10112x128xf32, #tpu.memory_space<hbm>> -> memref<1x632x128xf32, #tpu.memory_space<hbm>>
      %dma_wait3A_119 = tpu.memref_squeeze %dma_wait3A_118 : memref<1x632x128xf32, #tpu.memory_space<hbm>> -> memref<632x128xf32, #tpu.memory_space<hbm>>
      %dma_wait3A_120 = arith.constant 0 : i32
      %dma_wait3A_121 = tpu.memref_slice %arg10[%mul3A_0, %dma_wait3A_120] : memref<10112x144xf32, #tpu.memory_space<vmem_shared>> -> memref<632x128xf32, #tpu.memory_space<vmem_shared>>
      tpu.wait_dma2 semaphore(%run_scoped3A_111 : memref<!tpu.dma_semaphore, #tpu.memory_space<semaphore_mem>>) src(%dma_wait3A_121 : memref<632x128xf32, #tpu.memory_space<vmem_shared>>) dst(%dma_wait3A_119 : memref<632x128xf32, #tpu.memory_space<hbm>>)
      tpu.yield
    }) : () -> ()
    "tpu.region"() ({
      %run_scoped3A_111 = tpu.sem_alloc : memref<!tpu.dma_semaphore, #tpu.memory_space<semaphore_mem>>
      %dma_start3A_112 = arith.constant 0 : i32
      %dma_start3A_113 = tpu.memref_slice %arg6[%arg0, %mul3A_0, %dma_start3A_112] : memref<2x10112x16xf32, #tpu.memory_space<hbm>> -> memref<1x632x16xf32, #tpu.memory_space<hbm>>
      %dma_start3A_114 = tpu.memref_squeeze %dma_start3A_113 : memref<1x632x16xf32, #tpu.memory_space<hbm>> -> memref<632x16xf32, #tpu.memory_space<hbm>>
      %dma_start3A_115 = arith.constant 128 : i32
      %dma_start3A_116 = tpu.memref_slice %arg10[%mul3A_0, %dma_start3A_115] : memref<10112x144xf32, #tpu.memory_space<vmem_shared>> -> memref<632x16xf32, #tpu.memory_space<vmem_shared>>
      tpu.enqueue_dma source(%dma_start3A_116 : memref<632x16xf32, #tpu.memory_space<vmem_shared>>) target(%dma_start3A_114 : memref<632x16xf32, #tpu.memory_space<hbm>>) target_semaphore(%run_scoped3A_111 : memref<!tpu.dma_semaphore, #tpu.memory_space<semaphore_mem>>)
      %dma_wait3A_117 = arith.constant 0 : i32
      %dma_wait3A_118 = tpu.memref_slice %arg6[%arg0, %mul3A_0, %dma_wait3A_117] : memref<2x10112x16xf32, #tpu.memory_space<hbm>> -> memref<1x632x16xf32, #tpu.memory_space<hbm>>
      %dma_wait3A_119 = tpu.memref_squeeze %dma_wait3A_118 : memref<1x632x16xf32, #tpu.memory_space<hbm>> -> memref<632x16xf32, #tpu.memory_space<hbm>>
      %dma_wait3A_120 = arith.constant 128 : i32
      %dma_wait3A_121 = tpu.memref_slice %arg10[%mul3A_0, %dma_wait3A_120] : memref<10112x144xf32, #tpu.memory_space<vmem_shared>> -> memref<632x16xf32, #tpu.memory_space<vmem_shared>>
      tpu.wait_dma2 semaphore(%run_scoped3A_111 : memref<!tpu.dma_semaphore, #tpu.memory_space<semaphore_mem>>) src(%dma_wait3A_121 : memref<632x16xf32, #tpu.memory_space<vmem_shared>>) dst(%dma_wait3A_119 : memref<632x16xf32, #tpu.memory_space<hbm>>)
      tpu.yield
    }) : () -> ()
    return
  }
}

module attributes {stable_mosaic.version = 14 : i64} {
  func.func @body(%arg0: i32, %arg1: memref<2x2000x128xf32, #tpu.memory_space<vmem>>, %arg2: memref<2x2000x16xf32, #tpu.memory_space<vmem>>, %arg3: memref<128x128xf32, #tpu.memory_space<vmem>>, %arg4: memref<128x128xf32, #tpu.memory_space<vmem>>, %arg5: memref<1x128xf32, #tpu.memory_space<vmem>>, %arg6: memref<1x128xf32, #tpu.memory_space<vmem>>, %arg7: memref<2000x128xf32, #tpu.memory_space<vmem>>) attributes {dimension_semantics = [#tpu.dimension_semantics<arbitrary>], iteration_bounds = array<i64: 5>, scalar_prefetch = 0 : i64, scratch_operands = 0 : i64, tpu.core_type = #tpu.core_type<tc>, window_params = [{transform_indices = @transform_0, window_bounds = array<i64: 2, 2000, 128>}, {transform_indices = @transform_1, window_bounds = array<i64: 2, 2000, 16>}, {pipeline_mode = #tpu.pipeline_mode<synchronous>, transform_indices = @transform_2, window_bounds = array<i64: 128, 128>}, {pipeline_mode = #tpu.pipeline_mode<synchronous>, transform_indices = @transform_3, window_bounds = array<i64: 128, 128>}, {pipeline_mode = #tpu.pipeline_mode<synchronous>, transform_indices = @transform_4, window_bounds = array<i64: 1, 128>}, {pipeline_mode = #tpu.pipeline_mode<synchronous>, transform_indices = @transform_5, window_bounds = array<i64: 1, 128>}, {transform_indices = @transform_6, window_bounds = array<i64: 2000, 128>}]} {
    %get3A = arith.constant 0 : index
    %get3A_0 = arith.constant 0 : index
    %get3A_1 = arith.constant 0 : index
    %get3A_2 = vector.load %arg2[%get3A, %get3A_0, %get3A_1] : memref<2x2000x16xf32, #tpu.memory_space<vmem>>, vector<1x2000x16xf32>
    %get3A_3 = vector.shape_cast %get3A_2 : vector<1x2000x16xf32> to vector<2000x16xf32>
    %reduce_max3A = arith.constant dense<0xFF800000> : vector<2000xf32>
    %reduce_max3A_4 = vector.multi_reduction <maximumf>, %get3A_3, %reduce_max3A [1] : vector<2000x16xf32> to vector<2000xf32>
    %broadcast_in_dim3A = vector.shape_cast %reduce_max3A_4 : vector<2000xf32> to vector<2000x1xf32>
    %get3A_5 = arith.constant 1 : index
    %get3A_6 = arith.constant 0 : index
    %get3A_7 = arith.constant 0 : index
    %get3A_8 = vector.load %arg2[%get3A_5, %get3A_6, %get3A_7] : memref<2x2000x16xf32, #tpu.memory_space<vmem>>, vector<1x2000x16xf32>
    %get3A_9 = vector.shape_cast %get3A_8 : vector<1x2000x16xf32> to vector<2000x16xf32>
    %reduce_max3A_10 = arith.constant dense<0xFF800000> : vector<2000xf32>
    %reduce_max3A_11 = vector.multi_reduction <maximumf>, %get3A_9, %reduce_max3A_10 [1] : vector<2000x16xf32> to vector<2000xf32>
    %broadcast_in_dim3A_12 = vector.shape_cast %reduce_max3A_11 : vector<2000xf32> to vector<2000x1xf32>
    %get3A_13 = arith.constant 0 : index
    %get3A_14 = arith.constant 0 : index
    %get3A_15 = arith.constant 0 : index
    %get3A_16 = vector.load %arg1[%get3A_13, %get3A_14, %get3A_15] : memref<2x2000x128xf32, #tpu.memory_space<vmem>>, vector<1x2000x128xf32>
    %get3A_17 = vector.shape_cast %get3A_16 : vector<1x2000x128xf32> to vector<2000x128xf32>
    %max3A = arith.constant 1.000000e+00 : f32
    %max3A_18 = vector.broadcast %max3A : f32 to vector<2000x1xf32>
    %max3A_19 = arith.maximumf %broadcast_in_dim3A, %max3A_18 : vector<2000x1xf32>
    %div3A = vector.broadcast %max3A_19 : vector<2000x1xf32> to vector<2000x128xf32>
    %div3A_20 = arith.divf %get3A_17, %div3A : vector<2000x128xf32>
    %get3A_21 = arith.constant 1 : index
    %get3A_22 = arith.constant 0 : index
    %get3A_23 = arith.constant 0 : index
    %get3A_24 = vector.load %arg1[%get3A_21, %get3A_22, %get3A_23] : memref<2x2000x128xf32, #tpu.memory_space<vmem>>, vector<1x2000x128xf32>
    %get3A_25 = vector.shape_cast %get3A_24 : vector<1x2000x128xf32> to vector<2000x128xf32>
    %max3A_26 = arith.constant 1.000000e+00 : f32
    %max3A_27 = vector.broadcast %max3A_26 : f32 to vector<2000x1xf32>
    %max3A_28 = arith.maximumf %broadcast_in_dim3A_12, %max3A_27 : vector<2000x1xf32>
    %div3A_29 = vector.broadcast %max3A_28 : vector<2000x1xf32> to vector<2000x128xf32>
    %div3A_30 = arith.divf %get3A_25, %div3A_29 : vector<2000x128xf32>
    %get3A_31 = arith.constant 0 : index
    %get3A_32 = arith.constant 0 : index
    %get3A_33 = vector.load %arg3[%get3A_31, %get3A_32] : memref<128x128xf32, #tpu.memory_space<vmem>>, vector<128x128xf32>
    %dot_general3A = arith.constant dense<0.000000e+00> : vector<2000x128xf32>
    %dot_general3A_34 = tpu.matmul %div3A_20, %get3A_33, %dot_general3A {dimension_numbers = #tpu.dot_dimension_numbers<[1], [1], [0], [0], [0, 0, 1, 0], [], []>, transpose_lhs_hint = false} : vector<2000x128xf32>, vector<128x128xf32>, vector<2000x128xf32> -> vector<2000x128xf32>
    %get3A_35 = arith.constant 0 : index
    %get3A_36 = arith.constant 0 : index
    %get3A_37 = vector.load %arg4[%get3A_35, %get3A_36] : memref<128x128xf32, #tpu.memory_space<vmem>>, vector<128x128xf32>
    %dot_general3A_38 = arith.constant dense<0.000000e+00> : vector<2000x128xf32>
    %dot_general3A_39 = tpu.matmul %div3A_30, %get3A_37, %dot_general3A_38 {dimension_numbers = #tpu.dot_dimension_numbers<[1], [1], [0], [0], [0, 0, 1, 0], [], []>, transpose_lhs_hint = false} : vector<2000x128xf32>, vector<128x128xf32>, vector<2000x128xf32> -> vector<2000x128xf32>
    %add3A = arith.addf %dot_general3A_34, %dot_general3A_39 : vector<2000x128xf32>
    %gt3A = arith.constant 0.000000e+00 : f32
    %gt3A_40 = vector.broadcast %gt3A : f32 to vector<2000x1xf32>
    %gt3A_41 = arith.cmpf ogt, %broadcast_in_dim3A, %gt3A_40 : vector<2000x1xf32>
    %jit3A = arith.constant 1.000000e+00 : f32
    %jit3A_42 = arith.constant 0.000000e+00 : f32
    %broadcast_in_dim3A_43 = vector.broadcast %jit3A : f32 to vector<2000x1xf32>
    %broadcast_in_dim3A_44 = vector.broadcast %jit3A_42 : f32 to vector<2000x1xf32>
    %select_n3A = arith.select %gt3A_41, %broadcast_in_dim3A_43, %broadcast_in_dim3A_44 : vector<2000x1xi1>, vector<2000x1xf32>
    %get3A_45 = arith.constant 0 : index
    %get3A_46 = arith.constant 0 : index
    %get3A_47 = vector.load %arg5[%get3A_45, %get3A_46] : memref<1x128xf32, #tpu.memory_space<vmem>>, vector<1x128xf32>
    %mul3A = vector.broadcast %select_n3A : vector<2000x1xf32> to vector<2000x128xf32>
    %mul3A_48 = vector.broadcast %get3A_47 : vector<1x128xf32> to vector<2000x128xf32>
    %mul3A_49 = arith.mulf %mul3A, %mul3A_48 : vector<2000x128xf32>
    %add3A_50 = arith.addf %add3A, %mul3A_49 : vector<2000x128xf32>
    %gt3A_51 = arith.constant 0.000000e+00 : f32
    %gt3A_52 = vector.broadcast %gt3A_51 : f32 to vector<2000x1xf32>
    %gt3A_53 = arith.cmpf ogt, %broadcast_in_dim3A_12, %gt3A_52 : vector<2000x1xf32>
    %jit3A_54 = arith.constant 1.000000e+00 : f32
    %jit3A_55 = arith.constant 0.000000e+00 : f32
    %broadcast_in_dim3A_56 = vector.broadcast %jit3A_54 : f32 to vector<2000x1xf32>
    %broadcast_in_dim3A_57 = vector.broadcast %jit3A_55 : f32 to vector<2000x1xf32>
    %select_n3A_58 = arith.select %gt3A_53, %broadcast_in_dim3A_56, %broadcast_in_dim3A_57 : vector<2000x1xi1>, vector<2000x1xf32>
    %get3A_59 = arith.constant 0 : index
    %get3A_60 = arith.constant 0 : index
    %get3A_61 = vector.load %arg6[%get3A_59, %get3A_60] : memref<1x128xf32, #tpu.memory_space<vmem>>, vector<1x128xf32>
    %mul3A_62 = vector.broadcast %select_n3A_58 : vector<2000x1xf32> to vector<2000x128xf32>
    %mul3A_63 = vector.broadcast %get3A_61 : vector<1x128xf32> to vector<2000x128xf32>
    %mul3A_64 = arith.mulf %mul3A_62, %mul3A_63 : vector<2000x128xf32>
    %add3A_65 = arith.addf %add3A_50, %mul3A_64 : vector<2000x128xf32>
    %swap3A = arith.constant 0 : index
    %swap3A_66 = arith.constant 0 : index
    %swap3A_67 = vector.load %arg7[%swap3A, %swap3A_66] : memref<2000x128xf32, #tpu.memory_space<vmem>>, vector<2000x128xf32>
    tpu.vector_store %arg7[%swap3A, %swap3A_66], %add3A_65 {strides = array<i32>} : memref<2000x128xf32, #tpu.memory_space<vmem>>, vector<2000x128xf32>,
    return
  }
  func.func @transform_0(%arg0: i32) -> (i32, i32, i32) {
    %c0_i32 = arith.constant 0 : i32
    %c0_i32_0 = arith.constant 0 : i32
    %c0_i32_1 = arith.constant 0 : i32
    return %c0_i32, %arg0, %c0_i32_0 : i32, i32, i32
  }
  func.func @transform_1(%arg0: i32) -> (i32, i32, i32) {
    %c0_i32 = arith.constant 0 : i32
    %c0_i32_0 = arith.constant 0 : i32
    %c0_i32_1 = arith.constant 0 : i32
    return %c0_i32, %arg0, %c0_i32_0 : i32, i32, i32
  }
  func.func @transform_2(%arg0: i32) -> (i32, i32) {
    %c0_i32 = arith.constant 0 : i32
    %c0_i32_0 = arith.constant 0 : i32
    %c0_i32_1 = arith.constant 0 : i32
    return %c0_i32, %c0_i32_0 : i32, i32
  }
  func.func @transform_3(%arg0: i32) -> (i32, i32) {
    %c0_i32 = arith.constant 0 : i32
    %c0_i32_0 = arith.constant 0 : i32
    %c0_i32_1 = arith.constant 0 : i32
    return %c0_i32, %c0_i32_0 : i32, i32
  }
  func.func @transform_4(%arg0: i32) -> (i32, i32) {
    %c0_i32 = arith.constant 0 : i32
    %c0_i32_0 = arith.constant 0 : i32
    %c0_i32_1 = arith.constant 0 : i32
    return %c0_i32, %c0_i32_0 : i32, i32
  }
  func.func @transform_5(%arg0: i32) -> (i32, i32) {
    %c0_i32 = arith.constant 0 : i32
    %c0_i32_0 = arith.constant 0 : i32
    %c0_i32_1 = arith.constant 0 : i32
    return %c0_i32, %c0_i32_0 : i32, i32
  }
  func.func @transform_6(%arg0: i32) -> (i32, i32) {
    %c0_i32 = arith.constant 0 : i32
    %c0_i32_0 = arith.constant 0 : i32
    return %arg0, %c0_i32 : i32, i32
  }
}

</mosaic_0001>

<sc_bundles>
// kernel: kernel.4.cloned.1.call-start
scs
__scs_entry_jumppad:
0x0: {  	(pc) =	sbr.rel $0x88, $3  }
0x1: {  	(tag) =	ssettag $0x0;
	lr =	simm.s32 $0x1  }
0x2: {  	[smem:$0x3F9A] =	sst lr;
	_ =	strace $0xD0000000  }
0x3: {  	_ = 	snop  }
0x4: {  	_ = 	snop  }
0x5: {  	_ = 	snop  }
0x6: {  	_ = 	snop  }
0x7: {  	_ = 	snop  }
__scs_overlays_trampoline_lowered:
0x8: {  	[smem:$0x3FA9] =	sst s0  }
0x9: {  	[smem:$0x3FAA] =	sst s1  }
0xa: {  	[smem:$0x3FAB] =	sst s2  }
0xb: {  	[smem:$0x3FAC] =	sst s3  }
0xc: {  	[smem:$0x3FAD] =	sst s4  }
0xd: {  	[smem:$0x3FAE] =	sst s5  }
0xe: {  	[smem:$0x3FAF] =	sst s6  }
0xf: {  	[smem:$0x3FB0] =	sst s7  }
0x10: {  	[smem:$0x3FB1] =	sst s8  }
0x11: {  	[smem:$0x3FB2] =	sst s9;
	s0 =	simm.s32 @!p0 $0x0  }
0x12: {  	s1 =	sld [smem:$0x3F98];
	s0 =	simm.s32 @p0 $0x1  }
0x13: {  	[smem:$0x3FB3] =	sst s0;
	s0 =	simm.s32 @!p1 $0x0  }
0x14: {  	s2 =	sld [smem:$0x3F97];
	s0 =	simm.s32 @p1 $0x1  }
0x15: {  	[smem:$0x3FB4] =	sst s0;
	s0 =	simm.s32 @!p2 $0x0  }
0x16: {  	s3 =	sld [smem:$0x3FDB];
	s0 =	simm.s32 @p2 $0x1  }
0x17: {  	s4 =	simm.s32 $0x1BF5;
	[smem:$0x3FB6] =	sst s0  }
0x18: {  	s0 =	sld [smem:$0x3F99];
	_ =	swait.ge [sflag:s4], $0x0  }
0x19: {  	s7 =	sld [smem:$0x3F9A]  }
0x1a: {  	s8 =	sadd.s32 $0xFFFFE003, lr  }
0x1b: {  	s9 =	sadd.s32 $0xFFFFFEF7, lr;
	s5 =	simm.s32 $0xFFFFFFFF;
	p2 =	slt.u32 s8, $0xFFFFF086  }
0x1c: {  	p1 =	slt.u32 s9, $0xF7A;
	s5 =	simm.s32 @!p2 $0x0  }
0x1d: {  	s5 =	simm.s32 @p1 $0x1;
	p0 =	seq.s32 s7, s2  }
0x1e: {  	s7 =	smul.u32 @!p0 $0xF7A, s2;
	p2 =	seq.s32 @!p0 s5, $0x0  }
0x1f: {  	s9 =	smul.u32 $0xF7A, s1;
	s8 =	simm.s32 @!p0 $0x1BF5;
	p2 =	por !p2, p0  }
0x20: {  	[sflag:s8] =	ssyncset.s32 @!p0 $0xFFFFF086;
	s6 =	sadd.s32 @!p0 s3, s7;
	s7 =	simm.s32 @!p0 $0x108  }
0x21: {  	s3 =	sadd.s32 s3, s9;
	s6 =	sadd.s32 @!p0 $0x88, s6;
	s7 =	simm.s32 @p2 $0x1082  }
0x22: {  	[simem:s7], [sflag:s8] =	dma.local @!p0 [hbm:s6], $0xF7A  }
0x23: {  	s9 =	sor.u32 $0xD0000000, s2;
	s6 =	simm.s32 $0x108;
	_ =	swait.ge @!p0 [sflag:s8], $0x0  }
0x24: {  	s3 =	sadd.s32 $0x88, s3;
	s6 =	simm.s32 @!p1 $0x1082;
	[sflag:s4] =	ssyncset.s32 $0xFFFFF086  }
0x25: {  	[simem:s6], [sflag:s4] =	dma.local [hbm:s3], $0xF7A  }
0x26: {  	[smem:$0x3F9A] =	sst s1;
	(tag) =	ssettag s2;
	_ =	strace s9  }
0x27: {  	s1 =	sld [smem:$0x3FAA]  }
0x28: {  	s2 =	sld [smem:$0x3FAB]  }
0x29: {  	s4 =	sld [smem:$0x3FAD]  }
0x2a: {  	p0 =	seq.s32 s5, $0x0;
	s5 =	sld [smem:$0x3FAE]  }
0x2b: {  	s6 =	sld [smem:$0x3FAF]  }
0x2c: {  	s7 =	sld [smem:$0x3FB0]  }
0x2d: {  	s3 =	simm.s32 $0x108;
	s8 =	sld [smem:$0x3FB1]  }
0x2e: {  	s3 =	simm.s32 @!p0 $0x1082;
	s9 =	sld [smem:$0x3FB2]  }
0x2f: {  	lr =	sadd.s32 s0, s3;
	s0 =	sld [smem:$0x3FA9]  }
0x30: {  	s3 =	sld [smem:$0x3FAC]  }
0x31: {  	[smem:$0x3FB5] =	sst s10  }
0x32: {  	s10 =	sld [smem:$0x3FB3];
	_ =	sdelay $0x3  }
0x33: {  	p0 =	seq.s32 s10, $0x1;
	s10 =	sld [smem:$0x3FB5];
	_ =	sdelay $0x3  }
0x34: {  	[smem:$0x3FB5] =	sst s10  }
0x35: {  	s10 =	sld [smem:$0x3FB4];
	_ =	sdelay $0x3  }
0x36: {  	p1 =	seq.s32 s10, $0x1;
	s10 =	sld [smem:$0x3FB5];
	_ =	sdelay $0x3  }
0x37: {  	[smem:$0x3FB5] =	sst s10  }
0x38: {  	s10 =	sld [smem:$0x3FB6]  }
0x39: {  	_ = 	snop;
	(pc) =	sbr.ind lr, $3  }
0x3a: {  	_ = 	snop  }
0x3b: {  	_ = 	snop  }
0x3c: {  	p2 =	seq.s32 s10, $0x1;
	s10 =	sld [smem:$0x3FB5]  }
0x3d: {  	_ =	shalt  }
0x3e: {  	_ =	shalt  }
0x3f: {  	_ =	shalt  }
0x40: {  	_ =	shalt  }
0x41: {  	_ =	shalt  }
0x42: {  	_ =	shalt  }
0x43: {  	_ =	shalt  }
0x44: {  	_ =	shalt  }
0x45: {  	_ =	shalt  }
0x46: {  	_ =	shalt  }
0x47: {  	_ =	shalt  }
0x48: {  	_ =	shalt  }
0x49: {  	_ =	shalt  }
0x4a: {  	_ =	shalt  }
0x4b: {  	_ =	shalt  }
0x4c: {  	_ =	shalt  }
0x4d: {  	_ =	shalt  }
0x4e: {  	_ =	shalt  }
0x4f: {  	_ =	shalt  }
0x50: {  	_ =	shalt  }
0x51: {  	_ =	shalt  }
0x52: {  	_ =	shalt  }
0x53: {  	_ =	shalt  }
0x54: {  	_ =	shalt  }
0x55: {  	_ =	shalt  }
0x56: {  	_ =	shalt  }
0x57: {  	_ =	shalt  }
0x58: {  	_ =	shalt  }
0x59: {  	_ =	shalt  }
0x5a: {  	_ =	shalt  }
0x5b: {  	_ =	shalt  }
0x5c: {  	_ =	shalt  }
0x5d: {  	_ =	shalt  }
0x5e: {  	_ =	shalt  }
0x5f: {  	_ =	shalt  }
0x60: {  	_ =	shalt  }
0x61: {  	_ =	shalt  }
0x62: {  	_ =	shalt  }
0x63: {  	_ =	shalt  }
0x64: {  	_ =	shalt  }
0x65: {  	_ =	shalt  }
0x66: {  	_ =	shalt  }
0x67: {  	_ =	shalt  }
0x68: {  	_ =	shalt  }
0x69: {  	_ =	shalt  }
0x6a: {  	_ =	shalt  }
0x6b: {  	_ =	shalt  }
0x6c: {  	_ =	shalt  }
0x6d: {  	_ =	shalt  }
0x6e: {  	_ =	shalt  }
0x6f: {  	_ =	shalt  }
0x70: {  	_ =	shalt  }
0x71: {  	_ =	shalt  }
0x72: {  	_ =	shalt  }
0x73: {  	_ =	shalt  }
0x74: {  	_ =	shalt  }
0x75: {  	_ =	shalt  }
0x76: {  	_ =	shalt  }
0x77: {  	_ =	shalt  }
0x78: {  	_ =	shalt  }
0x79: {  	_ =	shalt  }
0x7a: {  	_ =	shalt  }
0x7b: {  	_ =	shalt  }
0x7c: {  	_ =	shalt  }
0x7d: {  	_ =	shalt  }
0x7e: {  	_ =	shalt  }
0x7f: {  	_ =	shalt  }
0x80: {  	_ =	shalt  }
0x81: {  	_ =	shalt  }
0x82: {  	_ =	shalt  }
0x83: {  	_ =	shalt  }
0x84: {  	_ =	shalt  }
0x85: {  	_ =	shalt  }
0x86: {  	_ =	shalt  }
0x87: {  	_ =	shalt  }
.Lfunc_end0:
.L_simem_size_0:
called_computation_lowered:
.L_overlay_start_0:
0x88: {  	s2 =	sld [smem:$0x3FD9]  }
0x89: {  	s3 =	sld [smem:$0x3FFE];
	_ =	sdelay $0x1  }
0x8a: {  	s1 =	srdreg.scid  }
0x8b: {  	s0 =	sand.u32 $0x1, s1  }
0x8c: {  	s17 =	sshll.u32 s0, $0xA;
	s2 =	sadd.s32 s3, s2  }
0x8d: {  	s2 =	sadd.s32 s2, s17  }
0x8e: {  	[smem:$0x3FC1] =	sst s2  }
0x8f: {  	_ = 	snop  }
0x90: {  	s2 =	sld [smem:$0x3FD0];
	(tm) =	ssettm $0x1  }
0x91: {  	s18 =	sld [smem:$0x3FFB];
	_ =	sdelay $0x3  }
0x92: {  	_ =	strace s18  }
0x93: {  	s3 =	sld [smem:$0x3FFC];
	_ =	sdelay $0x3  }
0x94: {  	_ =	strace s3  }
0x95: {  	s3 =	sld [smem:$0x3FFD];
	_ =	sdelay $0x3  }
0x96: {  	_ =	strace s3  }
0x97: {  	_ =	strace $0x8FFFFFFF  }
0x98: {  	s19 =	sld [smem:$0x3FDB];
	_ =	sdelay $0x1  }
0x99: {  	s4 =	simm.s32 $_scs_section_size  }
0x9a: {  	s5 =	simm.s32 $_size__tile_overlayer_lowered;
	s6 =	simm.s32 $_tile_overlayer_lowered  }
0x9b: {  	s22 =	simm.s32 $0x1BFF;
	s21 =	sshll.u32 s6, $0x1;
	s3 =	sadd.s32 s4, s19  }
0x9c: {  	s7 =	simm.s32 $0x0;
	s20 =	sshll.u32 s5, $0x1;
	s5 =	sadd.s32 s21, s3  }
0x9d: {  	[timem:s7], [sflag:s22] =	dma.local [hbm:s5], s20  }
0x9e: {  	_ =	swait.ge [sflag:s22], s20  }
0x9f: {  	s4 =	ssub.s32 $0x0, s20;
	[sflag:s22] =	ssyncset.done $0x0  }
0xa0: {  	[sflag:s22] =	ssyncadd.s32 s4;
	_ =	sdelay $0x1  }
0xa1: {  	s23 =	simm.s32 $0x1B8B  }
0xa2: {  	_ =	swait.ge [sflag:s23], $0x1  }
0xa3: {  	[sflag:s23] =	ssyncset.done $0x0  }
0xa4: {  	s25 =	simm.s32 $0x1B8E;
	s24 =	sld [smem:$0x3FFE];
	[sflag:s23] =	ssyncadd.s32 $0xFFFFFFFF  }
0xa5: {  	s26 =	simm.s32 $execute0_lowered;
	[smem:$0x3FD2] =	sst s25  }
0xa6: {  	s5 =	sshll.u32 s26, $0x1;
	_ =	strace $0x80000046;
	[dreg:$0x1] =	wrdreg $0xFFFFFFFF  }
0xa7: {  	s28 =	simm.s32 $_size_execute0_lowered;
	s3 =	sadd.s32 s3, s5;
	[dreg:$0x0] =	wrdreg $0x0  }
0xa8: {  	s5 =	sshll.u32 s28, $0x1;
	[dreg:$0x2] =	wrdreg s3  }
0xa9: {  	[dreg:$0x3] =	wrdreg s5  }
0xaa: {  	[dreg:$0x4] =	wrdreg $0xC0  }
0xab: {  	_ =	task [dreg:s7], $0x5FFFF  }
0xac: {  	[dreg:$0x1] =	wrdreg $0xFFFFFFFF  }
0xad: {  	[dreg:$0x0] =	wrdreg $0x60  }
0xae: {  	[dreg:$0x2] =	wrdreg s24  }
0xaf: {  	[dreg:$0x3] =	wrdreg s2  }
0xb0: {  	[dreg:$0x4] =	wrdreg $0x97000  }
0xb1: {  	[dreg:$0x5] =	wrdreg $0x9  }
0xb2: {  	_ =	task.clear_ibuf [dreg:s7], $0x6FFFF;
	_ =	strace $0x90000046  }
0xb3: {  	s29 =	simm.s32 $0x9;
	_ =	strace $0x80000048  }
0xb4: {  	_ =	swait.ge [sflag:s29], $0x1  }
0xb5: {  	[sflag:s29] =	ssyncadd.s32 $0xFFFFFFFF  }
0xb6: {  	_ =	strace $0x90000048  }
0xb7: {  	_ =	sfence  }
0xb8: {  	s30 =	sld [smem:$0x0];
	_ =	sdelay $0x2  }
0xb9: {  	s31 =	sshll.u32 s1, $0xD;
	s1 =	sshrl.u32 s1, $0x2  }
0xba: {  	s3 =	sand.u32 $0x4000, s31;
	s1 =	sadd.s32 s1, s30  }
0xbb: {  	s0 =	sor.u32 s3, s0;
	s1 =	sshll.u32 s1, $0x11  }
0xbc: {  	s0 =	sor.u32 s1, s0  }
0xbd: {  	s0 =	sadd.s32 $0x8F2B, s0  }
0xbe: {  	[sflag:s0] =	ssyncadd.remote.s32 $0x1  }
0xbf: {  	_ =	sfence.sel $0xFFFF  }
0xc0: {  	[dreg:$0x0] =	wrdreg $0xFFFFFFFF;
	(pc) =	sbr.abs _section_cstart, $3  }
0xc1: {  	[dreg:$0x1] =	wrdreg $0xFFFFFFFF  }
0xc2: {  	_ =	task.clear_ibuf [dreg:s7], $0x2FFFF;
	_ =	strace $0x9FFFFFFF  }
0xc3: {  	(tm) =	ssettm $0x7FFFFFFF  }
tec
execute0_lowered:
.L_overlay_start_1:
0x0: {  	(tag) =	ssettag $0x1  }
0x1: {  	s0 =	rddreg [dreg:$0x0]  }
0x2: {  	s1 =	rddreg [dreg:$0x1];
	s3 =	srdreg.scid  }
0x3: {  	s2 =	rddreg [dreg:$0x2];
	s9 =	stileid.u32;
	s20 =	simm.s32 $0x4F00  }
0x4: {  	s21 =	simm.s32 $0x3;
	s23 =	simm.s32 $0x40;
	s6 =	smul.u32 $0x13C00, s9  }
0x5: {  	s28 =	simm.s32 $0x2;
	s30 =	simm.s32 $0x4EC0;
	s8 =	smul.u32 $0x2780, s9  }
0x6: {  	s5 =	sand.u32 $0x1, s3;
	s3 =	simm.s32 $0x0;
	s9 =	smul.u32 $0x58E00, s9  }
0x7: {  	s31 =	simm.s32 $0x10;
	s4 =	smul.u32 $0x13C000, s5;
	[smem:$0x7FF] =	sst s3  }
0x8: {  	s7 =	smul.u32 $0x27800, s5;
	s5 =	ssub.s32 $0x2, s5;
	_ =	strace $0x80000047  }
0x9: {  	s25 =	sshrl.u32 s5, $0x1;
	s26 =	sshrl.u32 s9, $0x2;
	s6 =	sadd.s32 s6, s4  }
0xa: {  	s4 =	sadd.s32 $0xA600, s0;
	s24 =	sadd.s32 s8, s7;
	s19 =	ssub.s32 s5, s25  }
0xb: {  	s5 =	sadd.s32 s26, s2;
	s26 =	simm.s32 $0x1;
	s6 =	sshrl.u32 s6, $0x3  }
0xc: {  	s15 =	sshrl.u32 s24, $0x3;
	s7 =	sadd.s32 $0x4800, s5;
	s8 =	sadd.s32 $0x6C00, s5  }
0xd: {  	s9 =	sadd.s32 $0x9000, s5;
	s10 =	sadd.s32 $0xB400, s5;
	s11 =	sadd.s32 $0xD800, s5  }
0xe: {  	s12 =	sadd.s32 $0xFC00, s5;
	s13 =	sadd.s32 $0x12000, s5;
	s14 =	sadd.s32 $0x14400, s5  }
0xf: {  	s29 =	sadd.s32 $0x80, s5;
	s19 =	smax.u32 s19, $0x1;
	s24 =	simm.s32 $0x7300  }
0x10: {  	s17 =	sadd.s32 s6, s0;
	s0 =	sadd.s32 s15, s0;
	s6 =	sadd.s32 $0x2400, s5  }
0x11: {  	s15 =	sadd.s32 s1, s15;
	s25 =	sshrl.u32 s29, $0x3;
	s16 =	sadd.s32 $0x800, s0  }
0x12: {  	v0 =	vimm.f32 $0.0e+00;
	s17 =	sadd.s32 $0x40400, s17;
	s18 =	sadd.s32 $0x36600, s0;
	s0 =	simm.s32 $0x12  }
.LBB2_1:
0x13: {  	s1 =	simm.s32 $0x80;
	s22 =	simm.s32 $0x440  }
.LBB2_2:
0x14: {  	p0 =	sne.s32 s22, $0x8FC0;
	[tilespmem:s1+$0x4F00] =	vst v0  }
0x15: {  	[tilespmem:s1+$0x4E80] =	vst v0  }
0x16: {  	[tilespmem:s1+$0x4E90] =	vst v0  }
0x17: {  	[tilespmem:s1+$0x4EA0] =	vst v0  }
.Ltmp0:
0x18: {  	[tilespmem:s1+$0x4EB0] =	vst v0;
	(pc) =	sbr.rel @p0 .LBB2_2-.Ltmp0, $4  }
0x19: {  	[tilespmem:s1+$0x4EC0] =	vst v0  }
0x1a: {  	[tilespmem:s1+$0x4ED0] =	vst v0  }
0x1b: {  	[tilespmem:s1+$0x4EE0] =	vst v0  }
0x1c: {  	[tilespmem:s1+$0x4EF0] =	vst v0;
	s1 =	sshra.s32 s22, $0x2;
	s22 =	sadd.s32 $0x240, s22  }
0x1d: {  	[tilespmem:s1+$0x4F00] =	vst v0  }
0x1e: {  	[tilespmem:s1+$0x4E80] =	vst v0  }
0x1f: {  	[tilespmem:s1+$0x4E90] =	vst v0  }
0x20: {  	[tilespmem:s1+$0x4EA0] =	vst v0  }
0x21: {  	[tilespmem:s1+$0x4EB0] =	vst v0  }
0x22: {  	[tilespmem:s1+$0x4EC0] =	vst v0  }
0x23: {  	[tilespmem:s1+$0x4ED0] =	vst v0  }
0x24: {  	[tilespmem:s1+$0x4EE0] =	vst v0  }
0x25: {  	[tilespmem:s1+$0x4EF0] =	vst v0  }
0x26: {  	[spmem:s5] =	stream.linear.scatter [tilespmem:s20], [sflag:$0x3], $0x2400, $0x38;
	[tilespmem:$0x1FA80] =	vst v63  }
0x27: {  	_ =	swait.ge [sflag:s21], $0x2400  }
0x28: {  	[sflag:s21] =	ssyncset.done $0x0  }
0x29: {  	[sflag:s21] =	ssyncadd.s32 $0xFFFFDC00  }
0x2a: {  	[spmem:s6] =	stream.linear.scatter [tilespmem:s20], [sflag:$0x3], $0x2400, $0x38;
	[tilespmem:$0x1FA80] =	vst v63  }
0x2b: {  	_ =	swait.ge [sflag:s21], $0x2400  }
0x2c: {  	[sflag:s21] =	ssyncset.done $0x0  }
0x2d: {  	[sflag:s21] =	ssyncadd.s32 $0xFFFFDC00  }
0x2e: {  	[spmem:s7] =	stream.linear.scatter [tilespmem:s20], [sflag:$0x3], $0x2400, $0x38;
	[tilespmem:$0x1FA80] =	vst v63  }
0x2f: {  	_ =	swait.ge [sflag:s21], $0x2400  }
0x30: {  	[sflag:s21] =	ssyncset.done $0x0  }
0x31: {  	[sflag:s21] =	ssyncadd.s32 $0xFFFFDC00  }
0x32: {  	[spmem:s8] =	stream.linear.scatter [tilespmem:s20], [sflag:$0x3], $0x2400, $0x38;
	[tilespmem:$0x1FA80] =	vst v63  }
0x33: {  	_ =	swait.ge [sflag:s21], $0x2400  }
0x34: {  	[sflag:s21] =	ssyncset.done $0x0  }
0x35: {  	[sflag:s21] =	ssyncadd.s32 $0xFFFFDC00  }
0x36: {  	[spmem:s9] =	stream.linear.scatter [tilespmem:s20], [sflag:$0x3], $0x2400, $0x38;
	[tilespmem:$0x1FA80] =	vst v63  }
0x37: {  	_ =	swait.ge [sflag:s21], $0x2400  }
0x38: {  	[sflag:s21] =	ssyncset.done $0x0  }
0x39: {  	[sflag:s21] =	ssyncadd.s32 $0xFFFFDC00  }
0x3a: {  	[spmem:s10] =	stream.linear.scatter [tilespmem:s20], [sflag:$0x3], $0x2400, $0x38;
	[tilespmem:$0x1FA80] =	vst v63  }
0x3b: {  	_ =	swait.ge [sflag:s21], $0x2400  }
0x3c: {  	[sflag:s21] =	ssyncset.done $0x0  }
0x3d: {  	[sflag:s21] =	ssyncadd.s32 $0xFFFFDC00  }
0x3e: {  	[spmem:s11] =	stream.linear.scatter [tilespmem:s20], [sflag:$0x3], $0x2400, $0x38;
	[tilespmem:$0x1FA80] =	vst v63  }
0x3f: {  	_ =	swait.ge [sflag:s21], $0x2400  }
0x40: {  	[sflag:s21] =	ssyncset.done $0x0  }
0x41: {  	[sflag:s21] =	ssyncadd.s32 $0xFFFFDC00  }
0x42: {  	[spmem:s12] =	stream.linear.scatter [tilespmem:s20], [sflag:$0x3], $0x2400, $0x38;
	[tilespmem:$0x1FA80] =	vst v63  }
0x43: {  	_ =	swait.ge [sflag:s21], $0x2400  }
0x44: {  	[sflag:s21] =	ssyncset.done $0x0  }
0x45: {  	[sflag:s21] =	ssyncadd.s32 $0xFFFFDC00  }
0x46: {  	[spmem:s13] =	stream.linear.scatter [tilespmem:s20], [sflag:$0x3], $0x2400, $0x38;
	[tilespmem:$0x1FA80] =	vst v63  }
0x47: {  	_ =	swait.ge [sflag:s21], $0x2400  }
0x48: {  	[sflag:s21] =	ssyncset.done $0x0  }
0x49: {  	[sflag:s21] =	ssyncadd.s32 $0xFFFFDC00  }
0x4a: {  	[spmem:s14] =	stream.linear.scatter [tilespmem:s20], [sflag:$0x3], $0x1F80, $0x38;
	[tilespmem:$0x1FA80] =	vst v63  }
0x4b: {  	_ =	swait.ge [sflag:s21], $0x1F80  }
0x4c: {  	[sflag:s21] =	ssyncset.done $0x0  }
0x4d: {  	s29 =	simm.s32 $0x0;
	[sflag:s21] =	ssyncadd.s32 $0xFFFFE080  }
0x4e: {  	[tilespmem:s29], [sflag:$0x3] =	stream.linear.gather [hbm4b:s15+s29], $0x2780, $0x38;
	[tilespmem:$0x1FA80] =	vst v63  }
0x4f: {  	_ =	swait.ge [sflag:s21], $0x2780  }
0x50: {  	[sflag:s21] =	ssyncset.done $0x0  }
0x51: {  	s22 =	simm.s32 $0x2780;
	[sflag:s21] =	ssyncadd.s32 $0xFFFFD880  }
0x52: {  	[tilespmem:s22], [sflag:$0x3] =	stream.linear.gather [hbm4b:s16+s29], $0x2780, $0x38;
	[tilespmem:$0x1FA80] =	vst v63  }
0x53: {  	_ =	swait.ge [sflag:s21], $0x2780  }
0x54: {  	[sflag:s21] =	ssyncset.done $0x0  }
0x55: {  	[sflag:s21] =	ssyncadd.s32 $0xFFFFD880  }
0x56: {  	[bflag:$0x0] =	sbarrier.arrive $0xFFFF  }
0x57: {  	[tilespmem:s20], [sflag:$0x1] =	stream.indirect.gather [hbm4b:s4+s23], $0x90, s29, s23, $0xb8;
	[tilespmem:$0x1FA80] =	vst v63  }
0x58: {  	_ = 	snop  }
0x59: {  	[tilespmem:s24], [sflag:$0x2] =	stream.indirect.gather [hbm4b:s4+s23], $0x90, s23, s23, $0xb8;
	[tilespmem:$0x1FA80] =	vst v63  }
0x5a: {  	_ =	swait.ge [sflag:s26], $0x2400  }
0x5b: {  	[sflag:s26] =	ssyncset.done $0x0  }
0x5c: {  	s29 =	simm.s32 $0x2780;
	[sflag:s26] =	ssyncadd.s32 $0xFFFFDC00  }
0x5d: {  	[spmem:s2] =	stream.indirect.scatter.add.f32 [tilespmem:s20], [sflag:$0x3], $0x90, s29, s23, $0xb8;
	[tilespmem:$0x1FA80] =	vst v63  }
0x5e: {  	_ =	swait.ge [sflag:s21], $0x2400  }
0x5f: {  	[sflag:s21] =	ssyncset.done $0x0  }
0x60: {  	s22 =	simm.s32 $0x80;
	[sflag:s21] =	ssyncadd.s32 $0xFFFFDC00  }
0x61: {  	[tilespmem:s20], [sflag:$0x1] =	stream.indirect.gather [hbm4b:s4+s23], $0x90, s22, s23, $0xb8;
	[tilespmem:$0x1FA80] =	vst v63  }
0x62: {  	_ =	swait.ge [sflag:s28], $0x2400  }
0x63: {  	[sflag:s28] =	ssyncset.done $0x0  }
0x64: {  	s29 =	simm.s32 $0x27C0;
	[sflag:s28] =	ssyncadd.s32 $0xFFFFDC00  }
0x65: {  	[spmem:s2] =	stream.indirect.scatter.add.f32 [tilespmem:s24], [sflag:$0x3], $0x90, s29, s23, $0xb8;
	[tilespmem:$0x1FA80] =	vst v63  }
0x66: {  	_ =	swait.ge [sflag:s21], $0x2400  }
0x67: {  	[sflag:s21] =	ssyncset.done $0x0  }
0x68: {  	s1 =	simm.s32 $0x200;
	s22 =	simm.s32 $0xC0;
	[sflag:s21] =	ssyncadd.s32 $0xFFFFDC00  }
.LBB2_4:
0x69: {  	[tilespmem:s24], [sflag:$0x2] =	stream.indirect.gather [hbm4b:s4+s23], $0x90, s22, s23, $0xb8;
	[tilespmem:$0x1FA80] =	vst v63  }
0x6a: {  	s22 =	smov.u32 s1  }
0x6b: {  	p0 =	sne.s32 s1, $0x9A00;
	s1 =	sadd.s32 $0x200, s1;
	_ =	swait.ge [sflag:s26], $0x2400  }
0x6c: {  	s22 =	sshra.s32 s22, $0x2;
	[sflag:s26] =	ssyncset.done $0x0  }
0x6d: {  	s29 =	sadd.s32 $0x2780, s22;
	[sflag:s26] =	ssyncadd.s32 $0xFFFFDC00  }
0x6e: {  	[spmem:s2] =	stream.indirect.scatter.add.f32 [tilespmem:s20], [sflag:$0x3], $0x90, s29, s23, $0xb8;
	[tilespmem:$0x1FA80] =	vst v63  }
0x6f: {  	_ =	swait.ge [sflag:s21], $0x2400  }
0x70: {  	[sflag:s21] =	ssyncset.done $0x0  }
0x71: {  	s29 =	sadd.s32 $0x80, s22;
	[sflag:s21] =	ssyncadd.s32 $0xFFFFDC00  }
0x72: {  	[tilespmem:s20], [sflag:$0x1] =	stream.indirect.gather [hbm4b:s4+s23], $0x90, s29, s23, $0xb8;
	[tilespmem:$0x1FA80] =	vst v63  }
0x73: {  	_ =	swait.ge [sflag:s28], $0x2400  }
0x74: {  	[sflag:s28] =	ssyncset.done $0x0  }
.Ltmp1:
0x75: {  	s29 =	sadd.s32 $0x27C0, s22;
	[sflag:s28] =	ssyncadd.s32 $0xFFFFDC00;
	(pc) =	sbr.rel @p0 .LBB2_4-.Ltmp1, $4  }
0x76: {  	[spmem:s2] =	stream.indirect.scatter.add.f32 [tilespmem:s24], [sflag:$0x3], $0x90, s29, s23, $0xb8;
	[tilespmem:$0x1FA80] =	vst v63  }
0x77: {  	_ =	swait.ge [sflag:s21], $0x2400  }
0x78: {  	[sflag:s21] =	ssyncset.done $0x0  }
0x79: {  	s22 =	sadd.s32 $0xC0, s22;
	[sflag:s21] =	ssyncadd.s32 $0xFFFFDC00  }
0x7a: {  	[tilespmem:s24], [sflag:$0x2] =	stream.indirect.gather [hbm4b:s4+s23], $0x90, s22, s23, $0xb8;
	[tilespmem:$0x1FA80] =	vst v63  }
0x7b: {  	_ =	swait.ge [sflag:s26], $0x2400  }
0x7c: {  	[sflag:s26] =	ssyncset.done $0x0  }
0x7d: {  	s1 =	simm.s32 $0x4E80;
	[sflag:s26] =	ssyncadd.s32 $0xFFFFDC00  }
0x7e: {  	[spmem:s2] =	stream.indirect.scatter.add.f32 [tilespmem:s20], [sflag:$0x3], $0x90, s1, s23, $0xb8;
	[tilespmem:$0x1FA80] =	vst v63  }
0x7f: {  	_ =	swait.ge [sflag:s21], $0x2400  }
0x80: {  	[sflag:s21] =	ssyncset.done $0x0  }
0x81: {  	[sflag:s21] =	ssyncadd.s32 $0xFFFFDC00  }
0x82: {  	_ =	swait.ge [sflag:s28], $0x2400  }
0x83: {  	[sflag:s28] =	ssyncset.done $0x0  }
0x84: {  	[sflag:s28] =	ssyncadd.s32 $0xFFFFDC00  }
0x85: {  	[spmem:s2] =	stream.indirect.scatter.add.f32 [tilespmem:s24], [sflag:$0x3], $0x90, s30, s23, $0xb8;
	[tilespmem:$0x1FA80] =	vst v63  }
0x86: {  	_ =	swait.ge [sflag:s21], $0x2400  }
0x87: {  	s22 =	stileid.u32;
	[sflag:s21] =	ssyncset.done $0x0  }
0x88: {  	s1 =	sshll.u32 s22, $0x6;
	[sflag:s21] =	ssyncadd.s32 $0xFFFFDC00  }
0x89: {  	s29 =	sshrl.u32 s5, $0x3;
	s1 =	sor.u32 $0x1C03, s1;
	[bflag:$0x0] =	sbarrier.arrive $0xFFFF  }
0x8a: {  	[hbm:s17@s31], [sflag:s1] =	dma.strided [spmem:s29@s0], $0x2780, s26, $0x10   }
0x8b: {  	s3 =	sadd.s32 $0x1, s3;
	_ =	swait.ge [sflag:s21], $0x2780  }
0x8c: {  	p0 =	sne.s32 s3, s19;
	[sflag:s21] =	ssyncset.done $0x0  }
.Ltmp2:
0x8d: {  	[sflag:s21] =	ssyncadd.s32 $0xFFFFD880;
	(pc) =	sbr.rel @p0 .LBB2_1-.Ltmp2, $4  }
0x8e: {  	[hbm:s18@s28], [sflag:s1] =	dma.strided [spmem:s25@s0], $0x4F0, s26, $0x2   }
0x8f: {  	_ =	swait.ge [sflag:s21], $0x4F0  }
0x90: {  	[sflag:s21] =	ssyncset.done $0x0  }
0x91: {  	[sflag:s21] =	ssyncadd.s32 $0xFFFFFB10  }
0x92: {  	_ =	sfence.sel $0x180000  }
0x93: {  	[bflag:$0x0] =	sbarrier.arrive $0xFFFF  }
0x94: {  	_ =	strace $0x90000047  }
0x95: {  	s0 =	stileid.u32;
	[bflag:$0x2] =	sbarrier.arrive $0xFFFF  }
0x96: {  	p0 =	sne.s32 s0, $0x0;
	s0 =	rddreg [dreg:$0x3]  }
0x97: {  	s0 =	sadd.s32 @!p0 $0x100000, s0  }
0x98: {  	[sflag:s0] =	ssyncadd.tile.s32 @!p0 $0x1;
	_ =	shalt  }
.Lfunc_end2:
_tile_overlayer_lowered:
.L_overlay_start_2:
0x99: {  	(tag) =	ssettag $0x2  }
0x9a: {  	s0 =	rddreg [dreg:$0x0];
	s2 =	stileid.u32  }
0x9b: {  	s1 =	rddreg [dreg:$0x1];
	p0 =	sne.s32 s2, $0x0  }
0x9c: {  	s3 =	rddreg [dreg:$0x2];
	[bflag:$0x3] =	sbarrier.arrive $0xFFFF;
	s2 =	simm.s32 @!p0 $0x1C03  }
0x9d: {  	[timem:s3], [sflag:s2] =	dma.local @!p0 [hbm:s0], s1  }
0x9e: {  	s0 =	simm.s32 @!p0 $0x3  }
0x9f: {  	_ =	swait.ge @!p0 [sflag:s0], s1  }
0xa0: {  	s1 =	ssub.s32 @!p0 $0x0, s1;
	[sflag:s0] =	ssyncset.done @!p0 $0x0  }
0xa1: {  	[sflag:s0] =	ssyncadd.s32 @!p0 s1  }
0xa2: {  	[bflag:$0x3] =	sbarrier.arrive $0xFFFF  }
0xa3: {  	_ =	shalt  }

</sc_bundles>
